<compile_context>
chip_gen: v7x
topology: tpu7x:2x2x1
jax: 0.10.2.dev20260603
libtpu: 0.0.44.dev20260713+nightly
codegen_flags: <defaults>
</compile_context>

<pallas_src>
import functools

import jax
import jax.numpy as jnp
from jax import lax
from jax.experimental import pallas as pl
from jax.experimental.pallas import tpu as pltpu
from jax.experimental.pallas import tpu_sc as plsc

L = 16
HID = 128
HV = HID // L


_GATHER_DNUMS = lax.GatherDimensionNumbers(
    offset_dims=(), collapsed_slice_dims=(0,), start_index_map=(0,))


def _lane_perm(x, perm):
    return lax.gather(x, perm[:, None], _GATHER_DNUMS, slice_sizes=(1,),
                      mode=lax.GatherScatterMode.PROMISE_IN_BOUNDS)


def _rsqrt_vec(v):
    i = lax.bitcast_convert_type(v, jnp.int32)
    i = jnp.int32(0x5F375A86) - lax.shift_right_logical(i, 1)
    r = lax.bitcast_convert_type(i, jnp.float32)
    hv = 0.5 * v
    return r * (1.5 - hv * r * r)


def _layernorm_block(buf, comb, gvecs, bvecs, n_rows):

    @plsc.parallel_loop(0, n_rows, unroll=5)
    def row_body(i):
        t = [buf[i, pl.ds(h * L, L)] + comb[i, pl.ds(h * L, L)]
             for h in range(HV)]
        s01, s23 = t[0] + t[1], t[2] + t[3]
        s45, s67 = t[4] + t[5], t[6] + t[7]
        s = (s01 + s23) + (s45 + s67)
        q0 = t[0] * t[0] + t[1] * t[1]
        q1 = t[2] * t[2] + t[3] * t[3]
        q2 = t[4] * t[4] + t[5] * t[5]
        q3 = t[6] * t[6] + t[7] * t[7]
        q = (q0 + q1) + (q2 + q3)
        lane = lax.iota(jnp.int32, 16)
        for k in (1, 2, 4, 8):
            perm = lane ^ k
            s = s + _lane_perm(s, perm)
            q = q + _lane_perm(q, perm)
        meanv = s * (1.0 / HID)
        var = q * (1.0 / HID) - meanv * meanv
        inv = _rsqrt_vec(var + 1e-5)
        for h in range(HV):
            buf[i, pl.ds(h * L, L)] = (
                (t[h] - meanv) * inv * gvecs[h] + bvecs[h])


def _make_sc_kernel(B, S):
    n_tiles = 32
    seq_per_tile = B // n_tiles

    mesh = plsc.VectorSubcoreMesh(core_axis_name="c", subcore_axis_name="s")

    @functools.partial(
        pl.kernel,
        out_type=jax.ShapeDtypeStruct((B, S, HID), jnp.float32),
        mesh=mesh,
        compiler_params=pltpu.CompilerParams(use_tc_tiling_on_sc=False),
        scratch_types=[
            pltpu.VMEM((seq_per_tile, S), jnp.int32),
            pltpu.VMEM((S, HID), jnp.float32),
            pltpu.VMEM((S, HID), jnp.float32),
            pltpu.VMEM((S, HID), jnp.float32),
            pltpu.VMEM((HID,), jnp.float32),
            pltpu.VMEM((HID,), jnp.float32),
            pltpu.SemaphoreType.DMA,
            pltpu.SemaphoreType.DMA,
            pltpu.SemaphoreType.DMA,
            pltpu.SemaphoreType.DMA,
        ],
    )
    def emb_kernel(ids_hbm, word_hbm, comb_hbm, gam_hbm, bet_hbm, out_hbm,
                   idx_v, buf_a, buf_b, comb_v, gam_v, bet_v,
                   sem_ga, sem_gb, sem_oa, sem_ob):
        wid = lax.axis_index("s") * 2 + lax.axis_index("c")
        seq0 = wid * seq_per_tile

        pltpu.sync_copy(ids_hbm.at[pl.ds(seq0, seq_per_tile)], idx_v)
        pltpu.sync_copy(comb_hbm, comb_v)
        pltpu.sync_copy(gam_hbm, gam_v)
        pltpu.sync_copy(bet_hbm, bet_v)

        gvecs = [gam_v[pl.ds(h * L, L)] for h in range(HV)]
        bvecs = [bet_v[pl.ds(h * L, L)] for h in range(HV)]

        def gather(j, buf, sem):
            pltpu.make_async_copy(word_hbm.at[idx_v.at[j]], buf, sem).start()

        def put(j, buf, sem):
            pltpu.make_async_copy(buf, out_hbm.at[seq0 + j], sem).start()

        gather(0, buf_a, sem_ga)
        gather(1, buf_b, sem_gb)

        def pair_body(p, carry):
            g = 2 * p
            pltpu.make_async_copy(word_hbm.at[idx_v.at[g]], buf_a,
                                  sem_ga).wait()
            _layernorm_block(buf_a, comb_v, gvecs, bvecs, S)
            put(g, buf_a, sem_oa)

            pltpu.make_async_copy(word_hbm.at[idx_v.at[g + 1]], buf_b,
                                  sem_gb).wait()
            _layernorm_block(buf_b, comb_v, gvecs, bvecs, S)
            put(g + 1, buf_b, sem_ob)

            @pl.when(g + 2 < seq_per_tile)
            def _refill():
                pltpu.make_async_copy(buf_a, out_hbm.at[seq0 + g],
                                      sem_oa).wait()
                gather(g + 2, buf_a, sem_ga)
                pltpu.make_async_copy(buf_b, out_hbm.at[seq0 + g + 1],
                                      sem_ob).wait()
                gather(g + 3, buf_b, sem_gb)

            return carry

        lax.fori_loop(0, seq_per_tile // 2, pair_body, 0, unroll=False)

        last = seq_per_tile - 2
        pltpu.make_async_copy(buf_a, out_hbm.at[seq0 + last], sem_oa).wait()
        pltpu.make_async_copy(buf_b, out_hbm.at[seq0 + last + 1],
                              sem_ob).wait()

    return emb_kernel


@jax.jit
def kernel(input_ids, word_emb, pos_emb, type_emb, ln_gamma, ln_beta):
    B, S = input_ids.shape
    comb = pos_emb[:S] + type_emb[0][None, :]
    sc = _make_sc_kernel(B, S)
    return sc(input_ids.astype(jnp.int32), word_emb, comb, ln_gamma, ln_beta)

# --- scband reference (transcript-rebuilt; emitter-appended) ---
"""Pipeline reference for scband-cpu-bert-embeddings-30657476559440 (READ-ONLY COPY).

The authoritative reference and input builder live on the scoring server;
editing this copy changes nothing except your own understanding.
"""

import jax, jax.numpy as jnp
import numpy as np

VOCAB = 100000
MAXPOS = 512
HID = 128
TYPEV = 2
B = 4096
S = 200


def setup_inputs(seed: int = 0) -> dict:
    key = jax.random.key(seed)
    k1, k2, k3, k4, k5, k6 = jax.random.split(key, 6)
    input_ids = jax.random.randint(k1, (B, S), 0, VOCAB, dtype=jnp.int32)
    word_emb = jax.random.normal(k2, (VOCAB, HID), dtype=jnp.float32) * 0.02
    pos_emb = jax.random.normal(k3, (MAXPOS, HID), dtype=jnp.float32) * 0.02
    type_emb = jax.random.normal(k4, (TYPEV, HID), dtype=jnp.float32) * 0.02
    ln_gamma = jnp.ones((HID,), dtype=jnp.float32)
    ln_beta = jnp.zeros((HID,), dtype=jnp.float32)
    return {
        "input_ids": input_ids,
        "word_emb": word_emb,
        "pos_emb": pos_emb,
        "type_emb": type_emb,
        "ln_gamma": ln_gamma,
        "ln_beta": ln_beta,
    }


def reference(input_ids, word_emb, pos_emb, type_emb, ln_gamma, ln_beta):
    # Single-process equivalent of CpuBertEmbeddings: the distributed
    # gather-to-rank0 / bcast-from-rank0 are identity collectives for the math.
    seq_length = input_ids.shape[1]
    # BertEmbeddingsWithoutLN: word + token_type (all zeros) + absolute position
    inputs_embeds = jnp.take(word_emb, input_ids, axis=0)          # [B, S, H] gather
    token_type_ids = jnp.zeros_like(input_ids)
    token_type_embeddings = jnp.take(type_emb, token_type_ids, axis=0)
    position_ids = jnp.arange(seq_length, dtype=jnp.int32)
    position_embeddings = jnp.take(pos_emb, position_ids, axis=0)[None, :, :]
    embeddings = inputs_embeds + token_type_embeddings + position_embeddings
    # LayerNorm (eps matches torch default 1e-5); dropout p=0 is identity
    mean = jnp.mean(embeddings, axis=-1, keepdims=True)
    var = jnp.var(embeddings, axis=-1, keepdims=True)
    normed = (embeddings - mean) / jnp.sqrt(var + 1e-5)
    out = normed * ln_gamma + ln_beta
    return out

if __name__ == "__main__":
    import jax
    _d = setup_inputs()
    print(jax.jit(kernel)(*tuple(_d.values())))

</pallas_src>

<mosaic_0001>
#map = affine_map<(d0, d1) -> (0, 0)>
#map1 = affine_map<(d0, d1) -> (0)>
#map2 = affine_map<(d0, d1) -> (0, 0, 0)>
module attributes {stable_mosaic.version = 14 : i64} {
  func.func @emb_kernel(%arg0: i32, %arg1: i32, %arg2: memref<4096x200xi32, #tpu.memory_space<hbm>>, %arg3: memref<100000x128xf32, #tpu.memory_space<hbm>>, %arg4: memref<200x128xf32, #tpu.memory_space<hbm>>, %arg5: memref<128xf32, #tpu.memory_space<hbm>>, %arg6: memref<128xf32, #tpu.memory_space<hbm>>, %arg7: memref<4096x200x128xf32, #tpu.memory_space<hbm>>, %arg8: memref<128x200xi32, #tpu.memory_space<vmem>>, %arg9: memref<200x128xf32, #tpu.memory_space<vmem>>, %arg10: memref<200x128xf32, #tpu.memory_space<vmem>>, %arg11: memref<200x128xf32, #tpu.memory_space<vmem>>, %arg12: memref<128xf32, #tpu.memory_space<vmem>>, %arg13: memref<128xf32, #tpu.memory_space<vmem>>, %arg14: memref<!tpu.dma_semaphore, #tpu.memory_space<semaphore_mem>>, %arg15: memref<!tpu.dma_semaphore, #tpu.memory_space<semaphore_mem>>, %arg16: memref<!tpu.dma_semaphore, #tpu.memory_space<semaphore_mem>>, %arg17: memref<!tpu.dma_semaphore, #tpu.memory_space<semaphore_mem>>) attributes {dimension_semantics = [#tpu.dimension_semantics<core_parallel>, #tpu.dimension_semantics<subcore_parallel>], iteration_bounds = array<i64: 2, 16>, scalar_prefetch = 0 : i64, scratch_operands = 10 : i64, tpu.core_type = #tpu.core_type<sc_vector_subcore>, window_params = [{transform_indices = #map}, {transform_indices = #map}, {transform_indices = #map}, {transform_indices = #map1}, {transform_indices = #map1}, {transform_indices = #map2}]} {
    %mul3A = arith.constant 2 : i32
    %mul3A_0 = arith.muli %arg1, %mul3A : i32
    %add3A = arith.addi %mul3A_0, %arg0 : i32
    %mul3A_1 = arith.constant 128 : i32
    %mul3A_2 = arith.muli %add3A, %mul3A_1 : i32
    "tpu.region"() ({
      %run_scoped3A = tpu.sem_alloc : memref<!tpu.dma_semaphore, #tpu.memory_space<semaphore_mem>>
      %dma_start3A_89 = arith.constant 0 : i32
      %dma_start3A_90 = tpu.memref_slice %arg2[%mul3A_2, %dma_start3A_89] : memref<4096x200xi32, #tpu.memory_space<hbm>> -> memref<128x200xi32, #tpu.memory_space<hbm>>
      %dma_start3A_91 = arith.constant 0 : i32
      %dma_start3A_92 = tpu.memref_slice %arg2[%mul3A_2, %dma_start3A_91] : memref<4096x200xi32, #tpu.memory_space<hbm>> -> memref<128x200xi32, #tpu.memory_space<hbm>>
      tpu.enqueue_dma source(%dma_start3A_92 : memref<128x200xi32, #tpu.memory_space<hbm>>) target(%arg8 : memref<128x200xi32, #tpu.memory_space<vmem>>) target_semaphore(%run_scoped3A : memref<!tpu.dma_semaphore, #tpu.memory_space<semaphore_mem>>)
      %dma_wait3A_93 = arith.constant 0 : i32
      %dma_wait3A_94 = tpu.memref_slice %arg2[%mul3A_2, %dma_wait3A_93] : memref<4096x200xi32, #tpu.memory_space<hbm>> -> memref<128x200xi32, #tpu.memory_space<hbm>>
      %dma_wait3A_95 = arith.constant 0 : i32
      %dma_wait3A_96 = tpu.memref_slice %arg2[%mul3A_2, %dma_wait3A_95] : memref<4096x200xi32, #tpu.memory_space<hbm>> -> memref<128x200xi32, #tpu.memory_space<hbm>>
      tpu.wait_dma2 semaphore(%run_scoped3A : memref<!tpu.dma_semaphore, #tpu.memory_space<semaphore_mem>>) src(%dma_wait3A_96 : memref<128x200xi32, #tpu.memory_space<hbm>>) dst(%arg8 : memref<128x200xi32, #tpu.memory_space<vmem>>)
      tpu.yield
    }) : () -> ()
    "tpu.region"() ({
      %run_scoped3A = tpu.sem_alloc : memref<!tpu.dma_semaphore, #tpu.memory_space<semaphore_mem>>
      tpu.enqueue_dma source(%arg4 : memref<200x128xf32, #tpu.memory_space<hbm>>) target(%arg11 : memref<200x128xf32, #tpu.memory_space<vmem>>) target_semaphore(%run_scoped3A : memref<!tpu.dma_semaphore, #tpu.memory_space<semaphore_mem>>)
      tpu.wait_dma2 semaphore(%run_scoped3A : memref<!tpu.dma_semaphore, #tpu.memory_space<semaphore_mem>>) src(%arg4 : memref<200x128xf32, #tpu.memory_space<hbm>>) dst(%arg11 : memref<200x128xf32, #tpu.memory_space<vmem>>)
      tpu.yield
    }) : () -> ()
    "tpu.region"() ({
      %run_scoped3A = tpu.sem_alloc : memref<!tpu.dma_semaphore, #tpu.memory_space<semaphore_mem>>
      tpu.enqueue_dma source(%arg5 : memref<128xf32, #tpu.memory_space<hbm>>) target(%arg12 : memref<128xf32, #tpu.memory_space<vmem>>) target_semaphore(%run_scoped3A : memref<!tpu.dma_semaphore, #tpu.memory_space<semaphore_mem>>)
      tpu.wait_dma2 semaphore(%run_scoped3A : memref<!tpu.dma_semaphore, #tpu.memory_space<semaphore_mem>>) src(%arg5 : memref<128xf32, #tpu.memory_space<hbm>>) dst(%arg12 : memref<128xf32, #tpu.memory_space<vmem>>)
      tpu.yield
    }) : () -> ()
    "tpu.region"() ({
      %run_scoped3A = tpu.sem_alloc : memref<!tpu.dma_semaphore, #tpu.memory_space<semaphore_mem>>
      tpu.enqueue_dma source(%arg6 : memref<128xf32, #tpu.memory_space<hbm>>) target(%arg13 : memref<128xf32, #tpu.memory_space<vmem>>) target_semaphore(%run_scoped3A : memref<!tpu.dma_semaphore, #tpu.memory_space<semaphore_mem>>)
      tpu.wait_dma2 semaphore(%run_scoped3A : memref<!tpu.dma_semaphore, #tpu.memory_space<semaphore_mem>>) src(%arg6 : memref<128xf32, #tpu.memory_space<hbm>>) dst(%arg13 : memref<128xf32, #tpu.memory_space<vmem>>)
      tpu.yield
    }) : () -> ()
    %get3A = arith.constant 0 : index
    %get3A_3 = tpu.vector_load %arg12[%get3A] {strides = array<i32>} : memref<128xf32, #tpu.memory_space<vmem>>, vector<16xf32>,
    %get3A_4 = vector.shape_cast %get3A_3 : vector<16xf32> to vector<16xf32>
    %get3A_5 = arith.constant 16 : index
    %get3A_6 = tpu.vector_load %arg12[%get3A_5] {strides = array<i32>} : memref<128xf32, #tpu.memory_space<vmem>>, vector<16xf32>,
    %get3A_7 = vector.shape_cast %get3A_6 : vector<16xf32> to vector<16xf32>
    %get3A_8 = arith.constant 32 : index
    %get3A_9 = tpu.vector_load %arg12[%get3A_8] {strides = array<i32>} : memref<128xf32, #tpu.memory_space<vmem>>, vector<16xf32>,
    %get3A_10 = vector.shape_cast %get3A_9 : vector<16xf32> to vector<16xf32>
    %get3A_11 = arith.constant 48 : index
    %get3A_12 = tpu.vector_load %arg12[%get3A_11] {strides = array<i32>} : memref<128xf32, #tpu.memory_space<vmem>>, vector<16xf32>,
    %get3A_13 = vector.shape_cast %get3A_12 : vector<16xf32> to vector<16xf32>
    %get3A_14 = arith.constant 64 : index
    %get3A_15 = tpu.vector_load %arg12[%get3A_14] {strides = array<i32>} : memref<128xf32, #tpu.memory_space<vmem>>, vector<16xf32>,
    %get3A_16 = vector.shape_cast %get3A_15 : vector<16xf32> to vector<16xf32>
    %get3A_17 = arith.constant 80 : index
    %get3A_18 = tpu.vector_load %arg12[%get3A_17] {strides = array<i32>} : memref<128xf32, #tpu.memory_space<vmem>>, vector<16xf32>,
    %get3A_19 = vector.shape_cast %get3A_18 : vector<16xf32> to vector<16xf32>
    %get3A_20 = arith.constant 96 : index
    %get3A_21 = tpu.vector_load %arg12[%get3A_20] {strides = array<i32>} : memref<128xf32, #tpu.memory_space<vmem>>, vector<16xf32>,
    %get3A_22 = vector.shape_cast %get3A_21 : vector<16xf32> to vector<16xf32>
    %get3A_23 = arith.constant 112 : index
    %get3A_24 = tpu.vector_load %arg12[%get3A_23] {strides = array<i32>} : memref<128xf32, #tpu.memory_space<vmem>>, vector<16xf32>,
    %get3A_25 = vector.shape_cast %get3A_24 : vector<16xf32> to vector<16xf32>
    %get3A_26 = arith.constant 0 : index
    %get3A_27 = tpu.vector_load %arg13[%get3A_26] {strides = array<i32>} : memref<128xf32, #tpu.memory_space<vmem>>, vector<16xf32>,
    %get3A_28 = vector.shape_cast %get3A_27 : vector<16xf32> to vector<16xf32>
    %get3A_29 = arith.constant 16 : index
    %get3A_30 = tpu.vector_load %arg13[%get3A_29] {strides = array<i32>} : memref<128xf32, #tpu.memory_space<vmem>>, vector<16xf32>,
    %get3A_31 = vector.shape_cast %get3A_30 : vector<16xf32> to vector<16xf32>
    %get3A_32 = arith.constant 32 : index
    %get3A_33 = tpu.vector_load %arg13[%get3A_32] {strides = array<i32>} : memref<128xf32, #tpu.memory_space<vmem>>, vector<16xf32>,
    %get3A_34 = vector.shape_cast %get3A_33 : vector<16xf32> to vector<16xf32>
    %get3A_35 = arith.constant 48 : index
    %get3A_36 = tpu.vector_load %arg13[%get3A_35] {strides = array<i32>} : memref<128xf32, #tpu.memory_space<vmem>>, vector<16xf32>,
    %get3A_37 = vector.shape_cast %get3A_36 : vector<16xf32> to vector<16xf32>
    %get3A_38 = arith.constant 64 : index
    %get3A_39 = tpu.vector_load %arg13[%get3A_38] {strides = array<i32>} : memref<128xf32, #tpu.memory_space<vmem>>, vector<16xf32>,
    %get3A_40 = vector.shape_cast %get3A_39 : vector<16xf32> to vector<16xf32>
    %get3A_41 = arith.constant 80 : index
    %get3A_42 = tpu.vector_load %arg13[%get3A_41] {strides = array<i32>} : memref<128xf32, #tpu.memory_space<vmem>>, vector<16xf32>,
    %get3A_43 = vector.shape_cast %get3A_42 : vector<16xf32> to vector<16xf32>
    %get3A_44 = arith.constant 96 : index
    %get3A_45 = tpu.vector_load %arg13[%get3A_44] {strides = array<i32>} : memref<128xf32, #tpu.memory_space<vmem>>, vector<16xf32>,
    %get3A_46 = vector.shape_cast %get3A_45 : vector<16xf32> to vector<16xf32>
    %get3A_47 = arith.constant 112 : index
    %get3A_48 = tpu.vector_load %arg13[%get3A_47] {strides = array<i32>} : memref<128xf32, #tpu.memory_space<vmem>>, vector<16xf32>,
    %get3A_49 = vector.shape_cast %get3A_48 : vector<16xf32> to vector<16xf32>
    %dma_start3A = arith.constant 0 : i32
    %dma_start3A_50 = arith.constant 0 : i32
    %dma_start3A_51 = tpu.memref_slice %arg8[%dma_start3A, %dma_start3A_50] : memref<128x200xi32, #tpu.memory_space<vmem>> -> memref<1x200xi32, #tpu.memory_space<vmem>>
    %dma_start3A_52 = tpu.memref_squeeze %dma_start3A_51 : memref<1x200xi32, #tpu.memory_space<vmem>> -> memref<200xi32, #tpu.memory_space<vmem>>
    %dma_start3A_53 = arith.constant 0 : i32
    %dma_start3A_54 = arith.constant 0 : i32
    %dma_start3A_55 = tpu.memref_slice %arg3[%dma_start3A_53, %dma_start3A_54] : memref<100000x128xf32, #tpu.memory_space<hbm>> -> memref<100000x128xf32, #tpu.memory_space<hbm>>
    tpu.enqueue_indirect_dma source(%dma_start3A_55 : memref<100000x128xf32, #tpu.memory_space<hbm>>) target(%arg9 : memref<200x128xf32, #tpu.memory_space<vmem>>) offsets(%dma_start3A_52 : memref<200xi32, #tpu.memory_space<vmem>>) semaphore(%arg14 : memref<!tpu.dma_semaphore, #tpu.memory_space<semaphore_mem>>)
    %dma_start3A_56 = arith.constant 1 : i32
    %dma_start3A_57 = arith.constant 0 : i32
    %dma_start3A_58 = tpu.memref_slice %arg8[%dma_start3A_56, %dma_start3A_57] : memref<128x200xi32, #tpu.memory_space<vmem>> -> memref<1x200xi32, #tpu.memory_space<vmem>>
    %dma_start3A_59 = tpu.memref_squeeze %dma_start3A_58 : memref<1x200xi32, #tpu.memory_space<vmem>> -> memref<200xi32, #tpu.memory_space<vmem>>
    %dma_start3A_60 = arith.constant 0 : i32
    %dma_start3A_61 = arith.constant 0 : i32
    %dma_start3A_62 = tpu.memref_slice %arg3[%dma_start3A_60, %dma_start3A_61] : memref<100000x128xf32, #tpu.memory_space<hbm>> -> memref<100000x128xf32, #tpu.memory_space<hbm>>
    tpu.enqueue_indirect_dma source(%dma_start3A_62 : memref<100000x128xf32, #tpu.memory_space<hbm>>) target(%arg10 : memref<200x128xf32, #tpu.memory_space<vmem>>) offsets(%dma_start3A_59 : memref<200xi32, #tpu.memory_space<vmem>>) semaphore(%arg15 : memref<!tpu.dma_semaphore, #tpu.memory_space<semaphore_mem>>)
    %scan3A = arith.constant 0 : i32
    %scan3A_63 = arith.constant 0 : i32
    %scan3A_64 = arith.constant 64 : i32
    %scan3A_65 = arith.addi %scan3A_63, %scan3A_64 : i32
    %scan3A_66 = arith.constant 1 : i32
    scf.for %scan3A_89 = %scan3A_63 to %scan3A_65 step %scan3A_66  : i32 {
      %mul3A_90 = arith.constant 2 : i32
      %mul3A_91 = arith.muli %mul3A_90, %scan3A_89 : i32
      %dma_wait3A_92 = arith.constant 0 : i32
      %dma_wait3A_93 = tpu.memref_slice %arg8[%mul3A_91, %dma_wait3A_92] : memref<128x200xi32, #tpu.memory_space<vmem>> -> memref<1x200xi32, #tpu.memory_space<vmem>>
      %dma_wait3A_94 = tpu.memref_squeeze %dma_wait3A_93 : memref<1x200xi32, #tpu.memory_space<vmem>> -> memref<200xi32, #tpu.memory_space<vmem>>
      %dma_wait3A_95 = arith.constant 0 : i32
      %dma_wait3A_96 = arith.constant 0 : i32
      %dma_wait3A_97 = tpu.memref_slice %arg3[%dma_wait3A_95, %dma_wait3A_96] : memref<100000x128xf32, #tpu.memory_space<hbm>> -> memref<100000x128xf32, #tpu.memory_space<hbm>>
      tpu.wait_indirect_dma semaphore(%arg14 : memref<!tpu.dma_semaphore, #tpu.memory_space<semaphore_mem>>) src(%dma_wait3A_97 : memref<100000x128xf32, #tpu.memory_space<hbm>>) dst(%arg9 : memref<200x128xf32, #tpu.memory_space<vmem>>)
      %parallel_loop3A = arith.constant 0 : i32
      %parallel_loop3A_98 = arith.constant 200 : i32
      %parallel_loop3A_99 = arith.constant 1 : i32
      scf.for %parallel_loop3A_135 = %parallel_loop3A to %parallel_loop3A_98 step %parallel_loop3A_99  : i32 {
        %parallel_loop3A_136 = arith.index_cast %parallel_loop3A_135 : i32 to index
        %parallel_loop3A_137 = arith.constant 0 : index
        %parallel_loop3A_138 = tpu.vector_load %arg9[%parallel_loop3A_136, %parallel_loop3A_137] {strides = array<i32>} : memref<200x128xf32, #tpu.memory_space<vmem>>, vector<1x16xf32>,
        %parallel_loop3A_139 = vector.shape_cast %parallel_loop3A_138 : vector<1x16xf32> to vector<16xf32>
        %parallel_loop3A_140 = arith.index_cast %parallel_loop3A_135 : i32 to index
        %parallel_loop3A_141 = arith.constant 0 : index
        %parallel_loop3A_142 = tpu.vector_load %arg11[%parallel_loop3A_140, %parallel_loop3A_141] {strides = array<i32>} : memref<200x128xf32, #tpu.memory_space<vmem>>, vector<1x16xf32>,
        %parallel_loop3A_143 = vector.shape_cast %parallel_loop3A_142 : vector<1x16xf32> to vector<16xf32>
        %parallel_loop3A_144 = arith.addf %parallel_loop3A_139, %parallel_loop3A_143 : vector<16xf32>
        %parallel_loop3A_145 = arith.index_cast %parallel_loop3A_135 : i32 to index
        %parallel_loop3A_146 = arith.constant 16 : index
        %parallel_loop3A_147 = tpu.vector_load %arg9[%parallel_loop3A_145, %parallel_loop3A_146] {strides = array<i32>} : memref<200x128xf32, #tpu.memory_space<vmem>>, vector<1x16xf32>,
        %parallel_loop3A_148 = vector.shape_cast %parallel_loop3A_147 : vector<1x16xf32> to vector<16xf32>
        %parallel_loop3A_149 = arith.index_cast %parallel_loop3A_135 : i32 to index
        %parallel_loop3A_150 = arith.constant 16 : index
        %parallel_loop3A_151 = tpu.vector_load %arg11[%parallel_loop3A_149, %parallel_loop3A_150] {strides = array<i32>} : memref<200x128xf32, #tpu.memory_space<vmem>>, vector<1x16xf32>,
        %parallel_loop3A_152 = vector.shape_cast %parallel_loop3A_151 : vector<1x16xf32> to vector<16xf32>
        %parallel_loop3A_153 = arith.addf %parallel_loop3A_148, %parallel_loop3A_152 : vector<16xf32>
        %parallel_loop3A_154 = arith.index_cast %parallel_loop3A_135 : i32 to index
        %parallel_loop3A_155 = arith.constant 32 : index
        %parallel_loop3A_156 = tpu.vector_load %arg9[%parallel_loop3A_154, %parallel_loop3A_155] {strides = array<i32>} : memref<200x128xf32, #tpu.memory_space<vmem>>, vector<1x16xf32>,
        %parallel_loop3A_157 = vector.shape_cast %parallel_loop3A_156 : vector<1x16xf32> to vector<16xf32>
        %parallel_loop3A_158 = arith.index_cast %parallel_loop3A_135 : i32 to index
        %parallel_loop3A_159 = arith.constant 32 : index
        %parallel_loop3A_160 = tpu.vector_load %arg11[%parallel_loop3A_158, %parallel_loop3A_159] {strides = array<i32>} : memref<200x128xf32, #tpu.memory_space<vmem>>, vector<1x16xf32>,
        %parallel_loop3A_161 = vector.shape_cast %parallel_loop3A_160 : vector<1x16xf32> to vector<16xf32>
        %parallel_loop3A_162 = arith.addf %parallel_loop3A_157, %parallel_loop3A_161 : vector<16xf32>
        %parallel_loop3A_163 = arith.index_cast %parallel_loop3A_135 : i32 to index
        %parallel_loop3A_164 = arith.constant 48 : index
        %parallel_loop3A_165 = tpu.vector_load %arg9[%parallel_loop3A_163, %parallel_loop3A_164] {strides = array<i32>} : memref<200x128xf32, #tpu.memory_space<vmem>>, vector<1x16xf32>,
        %parallel_loop3A_166 = vector.shape_cast %parallel_loop3A_165 : vector<1x16xf32> to vector<16xf32>
        %parallel_loop3A_167 = arith.index_cast %parallel_loop3A_135 : i32 to index
        %parallel_loop3A_168 = arith.constant 48 : index
        %parallel_loop3A_169 = tpu.vector_load %arg11[%parallel_loop3A_167, %parallel_loop3A_168] {strides = array<i32>} : memref<200x128xf32, #tpu.memory_space<vmem>>, vector<1x16xf32>,
        %parallel_loop3A_170 = vector.shape_cast %parallel_loop3A_169 : vector<1x16xf32> to vector<16xf32>
        %parallel_loop3A_171 = arith.addf %parallel_loop3A_166, %parallel_loop3A_170 : vector<16xf32>
        %parallel_loop3A_172 = arith.index_cast %parallel_loop3A_135 : i32 to index
        %parallel_loop3A_173 = arith.constant 64 : index
        %parallel_loop3A_174 = tpu.vector_load %arg9[%parallel_loop3A_172, %parallel_loop3A_173] {strides = array<i32>} : memref<200x128xf32, #tpu.memory_space<vmem>>, vector<1x16xf32>,
        %parallel_loop3A_175 = vector.shape_cast %parallel_loop3A_174 : vector<1x16xf32> to vector<16xf32>
        %parallel_loop3A_176 = arith.index_cast %parallel_loop3A_135 : i32 to index
        %parallel_loop3A_177 = arith.constant 64 : index
        %parallel_loop3A_178 = tpu.vector_load %arg11[%parallel_loop3A_176, %parallel_loop3A_177] {strides = array<i32>} : memref<200x128xf32, #tpu.memory_space<vmem>>, vector<1x16xf32>,
        %parallel_loop3A_179 = vector.shape_cast %parallel_loop3A_178 : vector<1x16xf32> to vector<16xf32>
        %parallel_loop3A_180 = arith.addf %parallel_loop3A_175, %parallel_loop3A_179 : vector<16xf32>
        %parallel_loop3A_181 = arith.index_cast %parallel_loop3A_135 : i32 to index
        %parallel_loop3A_182 = arith.constant 80 : index
        %parallel_loop3A_183 = tpu.vector_load %arg9[%parallel_loop3A_181, %parallel_loop3A_182] {strides = array<i32>} : memref<200x128xf32, #tpu.memory_space<vmem>>, vector<1x16xf32>,
        %parallel_loop3A_184 = vector.shape_cast %parallel_loop3A_183 : vector<1x16xf32> to vector<16xf32>
        %parallel_loop3A_185 = arith.index_cast %parallel_loop3A_135 : i32 to index
        %parallel_loop3A_186 = arith.constant 80 : index
        %parallel_loop3A_187 = tpu.vector_load %arg11[%parallel_loop3A_185, %parallel_loop3A_186] {strides = array<i32>} : memref<200x128xf32, #tpu.memory_space<vmem>>, vector<1x16xf32>,
        %parallel_loop3A_188 = vector.shape_cast %parallel_loop3A_187 : vector<1x16xf32> to vector<16xf32>
        %parallel_loop3A_189 = arith.addf %parallel_loop3A_184, %parallel_loop3A_188 : vector<16xf32>
        %parallel_loop3A_190 = arith.index_cast %parallel_loop3A_135 : i32 to index
        %parallel_loop3A_191 = arith.constant 96 : index
        %parallel_loop3A_192 = tpu.vector_load %arg9[%parallel_loop3A_190, %parallel_loop3A_191] {strides = array<i32>} : memref<200x128xf32, #tpu.memory_space<vmem>>, vector<1x16xf32>,
        %parallel_loop3A_193 = vector.shape_cast %parallel_loop3A_192 : vector<1x16xf32> to vector<16xf32>
        %parallel_loop3A_194 = arith.index_cast %parallel_loop3A_135 : i32 to index
        %parallel_loop3A_195 = arith.constant 96 : index
        %parallel_loop3A_196 = tpu.vector_load %arg11[%parallel_loop3A_194, %parallel_loop3A_195] {strides = array<i32>} : memref<200x128xf32, #tpu.memory_space<vmem>>, vector<1x16xf32>,
        %parallel_loop3A_197 = vector.shape_cast %parallel_loop3A_196 : vector<1x16xf32> to vector<16xf32>
        %parallel_loop3A_198 = arith.addf %parallel_loop3A_193, %parallel_loop3A_197 : vector<16xf32>
        %parallel_loop3A_199 = arith.index_cast %parallel_loop3A_135 : i32 to index
        %parallel_loop3A_200 = arith.constant 112 : index
        %parallel_loop3A_201 = tpu.vector_load %arg9[%parallel_loop3A_199, %parallel_loop3A_200] {strides = array<i32>} : memref<200x128xf32, #tpu.memory_space<vmem>>, vector<1x16xf32>,
        %parallel_loop3A_202 = vector.shape_cast %parallel_loop3A_201 : vector<1x16xf32> to vector<16xf32>
        %parallel_loop3A_203 = arith.index_cast %parallel_loop3A_135 : i32 to index
        %parallel_loop3A_204 = arith.constant 112 : index
        %parallel_loop3A_205 = tpu.vector_load %arg11[%parallel_loop3A_203, %parallel_loop3A_204] {strides = array<i32>} : memref<200x128xf32, #tpu.memory_space<vmem>>, vector<1x16xf32>,
        %parallel_loop3A_206 = vector.shape_cast %parallel_loop3A_205 : vector<1x16xf32> to vector<16xf32>
        %parallel_loop3A_207 = arith.addf %parallel_loop3A_202, %parallel_loop3A_206 : vector<16xf32>
        %parallel_loop3A_208 = arith.addf %parallel_loop3A_144, %parallel_loop3A_153 : vector<16xf32>
        %parallel_loop3A_209 = arith.addf %parallel_loop3A_162, %parallel_loop3A_171 : vector<16xf32>
        %parallel_loop3A_210 = arith.addf %parallel_loop3A_180, %parallel_loop3A_189 : vector<16xf32>
        %parallel_loop3A_211 = arith.addf %parallel_loop3A_198, %parallel_loop3A_207 : vector<16xf32>
        %parallel_loop3A_212 = arith.addf %parallel_loop3A_208, %parallel_loop3A_209 : vector<16xf32>
        %parallel_loop3A_213 = arith.addf %parallel_loop3A_210, %parallel_loop3A_211 : vector<16xf32>
        %parallel_loop3A_214 = arith.addf %parallel_loop3A_212, %parallel_loop3A_213 : vector<16xf32>
        %parallel_loop3A_215 = arith.mulf %parallel_loop3A_144, %parallel_loop3A_144 : vector<16xf32>
        %parallel_loop3A_216 = arith.mulf %parallel_loop3A_153, %parallel_loop3A_153 : vector<16xf32>
        %parallel_loop3A_217 = arith.addf %parallel_loop3A_215, %parallel_loop3A_216 : vector<16xf32>
        %parallel_loop3A_218 = arith.mulf %parallel_loop3A_162, %parallel_loop3A_162 : vector<16xf32>
        %parallel_loop3A_219 = arith.mulf %parallel_loop3A_171, %parallel_loop3A_171 : vector<16xf32>
        %parallel_loop3A_220 = arith.addf %parallel_loop3A_218, %parallel_loop3A_219 : vector<16xf32>
        %parallel_loop3A_221 = arith.mulf %parallel_loop3A_180, %parallel_loop3A_180 : vector<16xf32>
        %parallel_loop3A_222 = arith.mulf %parallel_loop3A_189, %parallel_loop3A_189 : vector<16xf32>
        %parallel_loop3A_223 = arith.addf %parallel_loop3A_221, %parallel_loop3A_222 : vector<16xf32>
        %parallel_loop3A_224 = arith.mulf %parallel_loop3A_198, %parallel_loop3A_198 : vector<16xf32>
        %parallel_loop3A_225 = arith.mulf %parallel_loop3A_207, %parallel_loop3A_207 : vector<16xf32>
        %parallel_loop3A_226 = arith.addf %parallel_loop3A_224, %parallel_loop3A_225 : vector<16xf32>
        %parallel_loop3A_227 = arith.addf %parallel_loop3A_217, %parallel_loop3A_220 : vector<16xf32>
        %parallel_loop3A_228 = arith.addf %parallel_loop3A_223, %parallel_loop3A_226 : vector<16xf32>
        %parallel_loop3A_229 = arith.addf %parallel_loop3A_227, %parallel_loop3A_228 : vector<16xf32>
        %parallel_loop3A_230 = tpu.iota {dimensions = array<i32: 0>} : vector<16xi32>
        %parallel_loop3A_231 = arith.constant 1 : i32
        %parallel_loop3A_232 = vector.broadcast %parallel_loop3A_231 : i32 to vector<16xi32>
        %parallel_loop3A_233 = arith.xori %parallel_loop3A_230, %parallel_loop3A_232 : vector<16xi32>
        %parallel_loop3A_234 = vector.shape_cast %parallel_loop3A_233 : vector<16xi32> to vector<16x1xi32>
        %parallel_loop3A_235 = vector.shape_cast %parallel_loop3A_234 : vector<16x1xi32> to vector<16xi32>
        %parallel_loop3A_236 = tpu.dynamic_gather %parallel_loop3A_214[%parallel_loop3A_235] in [0] : vector<16xf32>, vector<16xi32> -> vector<16xf32>
        %parallel_loop3A_237 = arith.addf %parallel_loop3A_214, %parallel_loop3A_236 : vector<16xf32>
        %parallel_loop3A_238 = vector.shape_cast %parallel_loop3A_233 : vector<16xi32> to vector<16x1xi32>
        %parallel_loop3A_239 = vector.shape_cast %parallel_loop3A_238 : vector<16x1xi32> to vector<16xi32>
        %parallel_loop3A_240 = tpu.dynamic_gather %parallel_loop3A_229[%parallel_loop3A_239] in [0] : vector<16xf32>, vector<16xi32> -> vector<16xf32>
        %parallel_loop3A_241 = arith.addf %parallel_loop3A_229, %parallel_loop3A_240 : vector<16xf32>
        %parallel_loop3A_242 = arith.constant 2 : i32
        %parallel_loop3A_243 = vector.broadcast %parallel_loop3A_242 : i32 to vector<16xi32>
        %parallel_loop3A_244 = arith.xori %parallel_loop3A_230, %parallel_loop3A_243 : vector<16xi32>
        %parallel_loop3A_245 = vector.shape_cast %parallel_loop3A_244 : vector<16xi32> to vector<16x1xi32>
        %parallel_loop3A_246 = vector.shape_cast %parallel_loop3A_245 : vector<16x1xi32> to vector<16xi32>
        %parallel_loop3A_247 = tpu.dynamic_gather %parallel_loop3A_237[%parallel_loop3A_246] in [0] : vector<16xf32>, vector<16xi32> -> vector<16xf32>
        %parallel_loop3A_248 = arith.addf %parallel_loop3A_237, %parallel_loop3A_247 : vector<16xf32>
        %parallel_loop3A_249 = vector.shape_cast %parallel_loop3A_244 : vector<16xi32> to vector<16x1xi32>
        %parallel_loop3A_250 = vector.shape_cast %parallel_loop3A_249 : vector<16x1xi32> to vector<16xi32>
        %parallel_loop3A_251 = tpu.dynamic_gather %parallel_loop3A_241[%parallel_loop3A_250] in [0] : vector<16xf32>, vector<16xi32> -> vector<16xf32>
        %parallel_loop3A_252 = arith.addf %parallel_loop3A_241, %parallel_loop3A_251 : vector<16xf32>
        %parallel_loop3A_253 = arith.constant 4 : i32
        %parallel_loop3A_254 = vector.broadcast %parallel_loop3A_253 : i32 to vector<16xi32>
        %parallel_loop3A_255 = arith.xori %parallel_loop3A_230, %parallel_loop3A_254 : vector<16xi32>
        %parallel_loop3A_256 = vector.shape_cast %parallel_loop3A_255 : vector<16xi32> to vector<16x1xi32>
        %parallel_loop3A_257 = vector.shape_cast %parallel_loop3A_256 : vector<16x1xi32> to vector<16xi32>
        %parallel_loop3A_258 = tpu.dynamic_gather %parallel_loop3A_248[%parallel_loop3A_257] in [0] : vector<16xf32>, vector<16xi32> -> vector<16xf32>
        %parallel_loop3A_259 = arith.addf %parallel_loop3A_248, %parallel_loop3A_258 : vector<16xf32>
        %parallel_loop3A_260 = vector.shape_cast %parallel_loop3A_255 : vector<16xi32> to vector<16x1xi32>
        %parallel_loop3A_261 = vector.shape_cast %parallel_loop3A_260 : vector<16x1xi32> to vector<16xi32>
        %parallel_loop3A_262 = tpu.dynamic_gather %parallel_loop3A_252[%parallel_loop3A_261] in [0] : vector<16xf32>, vector<16xi32> -> vector<16xf32>
        %parallel_loop3A_263 = arith.addf %parallel_loop3A_252, %parallel_loop3A_262 : vector<16xf32>
        %parallel_loop3A_264 = arith.constant 8 : i32
        %parallel_loop3A_265 = vector.broadcast %parallel_loop3A_264 : i32 to vector<16xi32>
        %parallel_loop3A_266 = arith.xori %parallel_loop3A_230, %parallel_loop3A_265 : vector<16xi32>
        %parallel_loop3A_267 = vector.shape_cast %parallel_loop3A_266 : vector<16xi32> to vector<16x1xi32>
        %parallel_loop3A_268 = vector.shape_cast %parallel_loop3A_267 : vector<16x1xi32> to vector<16xi32>
        %parallel_loop3A_269 = tpu.dynamic_gather %parallel_loop3A_259[%parallel_loop3A_268] in [0] : vector<16xf32>, vector<16xi32> -> vector<16xf32>
        %parallel_loop3A_270 = arith.addf %parallel_loop3A_259, %parallel_loop3A_269 : vector<16xf32>
        %parallel_loop3A_271 = vector.shape_cast %parallel_loop3A_266 : vector<16xi32> to vector<16x1xi32>
        %parallel_loop3A_272 = vector.shape_cast %parallel_loop3A_271 : vector<16x1xi32> to vector<16xi32>
        %parallel_loop3A_273 = tpu.dynamic_gather %parallel_loop3A_263[%parallel_loop3A_272] in [0] : vector<16xf32>, vector<16xi32> -> vector<16xf32>
        %parallel_loop3A_274 = arith.addf %parallel_loop3A_263, %parallel_loop3A_273 : vector<16xf32>
        %parallel_loop3A_275 = arith.constant 7.812500e-03 : f32
        %parallel_loop3A_276 = vector.broadcast %parallel_loop3A_275 : f32 to vector<16xf32>
        %parallel_loop3A_277 = arith.mulf %parallel_loop3A_270, %parallel_loop3A_276 : vector<16xf32>
        %parallel_loop3A_278 = arith.constant 7.812500e-03 : f32
        %parallel_loop3A_279 = vector.broadcast %parallel_loop3A_278 : f32 to vector<16xf32>
        %parallel_loop3A_280 = arith.mulf %parallel_loop3A_274, %parallel_loop3A_279 : vector<16xf32>
        %parallel_loop3A_281 = arith.mulf %parallel_loop3A_277, %parallel_loop3A_277 : vector<16xf32>
        %parallel_loop3A_282 = arith.subf %parallel_loop3A_280, %parallel_loop3A_281 : vector<16xf32>
        %parallel_loop3A_283 = arith.constant 9.99999974E-6 : f32
        %parallel_loop3A_284 = vector.broadcast %parallel_loop3A_283 : f32 to vector<16xf32>
        %parallel_loop3A_285 = arith.addf %parallel_loop3A_282, %parallel_loop3A_284 : vector<16xf32>
        %parallel_loop3A_286 = tpu.bitcast %parallel_loop3A_285 : vector<16xf32> -> vector<16xi32>
        %parallel_loop3A_287 = arith.constant 1 : i32
        %parallel_loop3A_288 = vector.broadcast %parallel_loop3A_287 : i32 to vector<16xi32>
        %parallel_loop3A_289 = arith.shrui %parallel_loop3A_286, %parallel_loop3A_288 : vector<16xi32>
        %parallel_loop3A_290 = arith.constant 1597463174 : i32
        %parallel_loop3A_291 = vector.broadcast %parallel_loop3A_290 : i32 to vector<16xi32>
        %parallel_loop3A_292 = arith.subi %parallel_loop3A_291, %parallel_loop3A_289 : vector<16xi32>
        %parallel_loop3A_293 = tpu.bitcast %parallel_loop3A_292 : vector<16xi32> -> vector<16xf32>
        %parallel_loop3A_294 = arith.constant 5.000000e-01 : f32
        %parallel_loop3A_295 = vector.broadcast %parallel_loop3A_294 : f32 to vector<16xf32>
        %parallel_loop3A_296 = arith.mulf %parallel_loop3A_295, %parallel_loop3A_285 : vector<16xf32>
        %parallel_loop3A_297 = arith.mulf %parallel_loop3A_296, %parallel_loop3A_293 : vector<16xf32>
        %parallel_loop3A_298 = arith.mulf %parallel_loop3A_297, %parallel_loop3A_293 : vector<16xf32>
        %parallel_loop3A_299 = arith.constant 1.500000e+00 : f32
        %parallel_loop3A_300 = vector.broadcast %parallel_loop3A_299 : f32 to vector<16xf32>
        %parallel_loop3A_301 = arith.subf %parallel_loop3A_300, %parallel_loop3A_298 : vector<16xf32>
        %parallel_loop3A_302 = arith.mulf %parallel_loop3A_293, %parallel_loop3A_301 : vector<16xf32>
        %parallel_loop3A_303 = arith.subf %parallel_loop3A_144, %parallel_loop3A_277 : vector<16xf32>
        %parallel_loop3A_304 = arith.mulf %parallel_loop3A_303, %parallel_loop3A_302 : vector<16xf32>
        %parallel_loop3A_305 = arith.mulf %parallel_loop3A_304, %get3A_4 : vector<16xf32>
        %parallel_loop3A_306 = arith.addf %parallel_loop3A_305, %get3A_28 : vector<16xf32>
        %parallel_loop3A_307 = arith.index_cast %parallel_loop3A_135 : i32 to index
        %parallel_loop3A_308 = arith.constant 0 : index
        %parallel_loop3A_309 = tpu.vector_load %arg9[%parallel_loop3A_307, %parallel_loop3A_308] {strides = array<i32>} : memref<200x128xf32, #tpu.memory_space<vmem>>, vector<1x16xf32>,
        %parallel_loop3A_310 = vector.shape_cast %parallel_loop3A_309 : vector<1x16xf32> to vector<16xf32>
        %parallel_loop3A_311 = vector.shape_cast %parallel_loop3A_306 : vector<16xf32> to vector<1x16xf32>
        tpu.vector_store %arg9[%parallel_loop3A_307, %parallel_loop3A_308], %parallel_loop3A_311 {strides = array<i32>} : memref<200x128xf32, #tpu.memory_space<vmem>>, vector<1x16xf32>,
        %parallel_loop3A_312 = arith.subf %parallel_loop3A_153, %parallel_loop3A_277 : vector<16xf32>
        %parallel_loop3A_313 = arith.mulf %parallel_loop3A_312, %parallel_loop3A_302 : vector<16xf32>
        %parallel_loop3A_314 = arith.mulf %parallel_loop3A_313, %get3A_7 : vector<16xf32>
        %parallel_loop3A_315 = arith.addf %parallel_loop3A_314, %get3A_31 : vector<16xf32>
        %parallel_loop3A_316 = arith.index_cast %parallel_loop3A_135 : i32 to index
        %parallel_loop3A_317 = arith.constant 16 : index
        %parallel_loop3A_318 = tpu.vector_load %arg9[%parallel_loop3A_316, %parallel_loop3A_317] {strides = array<i32>} : memref<200x128xf32, #tpu.memory_space<vmem>>, vector<1x16xf32>,
        %parallel_loop3A_319 = vector.shape_cast %parallel_loop3A_318 : vector<1x16xf32> to vector<16xf32>
        %parallel_loop3A_320 = vector.shape_cast %parallel_loop3A_315 : vector<16xf32> to vector<1x16xf32>
        tpu.vector_store %arg9[%parallel_loop3A_316, %parallel_loop3A_317], %parallel_loop3A_320 {strides = array<i32>} : memref<200x128xf32, #tpu.memory_space<vmem>>, vector<1x16xf32>,
        %parallel_loop3A_321 = arith.subf %parallel_loop3A_162, %parallel_loop3A_277 : vector<16xf32>
        %parallel_loop3A_322 = arith.mulf %parallel_loop3A_321, %parallel_loop3A_302 : vector<16xf32>
        %parallel_loop3A_323 = arith.mulf %parallel_loop3A_322, %get3A_10 : vector<16xf32>
        %parallel_loop3A_324 = arith.addf %parallel_loop3A_323, %get3A_34 : vector<16xf32>
        %parallel_loop3A_325 = arith.index_cast %parallel_loop3A_135 : i32 to index
        %parallel_loop3A_326 = arith.constant 32 : index
        %parallel_loop3A_327 = tpu.vector_load %arg9[%parallel_loop3A_325, %parallel_loop3A_326] {strides = array<i32>} : memref<200x128xf32, #tpu.memory_space<vmem>>, vector<1x16xf32>,
        %parallel_loop3A_328 = vector.shape_cast %parallel_loop3A_327 : vector<1x16xf32> to vector<16xf32>
        %parallel_loop3A_329 = vector.shape_cast %parallel_loop3A_324 : vector<16xf32> to vector<1x16xf32>
        tpu.vector_store %arg9[%parallel_loop3A_325, %parallel_loop3A_326], %parallel_loop3A_329 {strides = array<i32>} : memref<200x128xf32, #tpu.memory_space<vmem>>, vector<1x16xf32>,
        %parallel_loop3A_330 = arith.subf %parallel_loop3A_171, %parallel_loop3A_277 : vector<16xf32>
        %parallel_loop3A_331 = arith.mulf %parallel_loop3A_330, %parallel_loop3A_302 : vector<16xf32>
        %parallel_loop3A_332 = arith.mulf %parallel_loop3A_331, %get3A_13 : vector<16xf32>
        %parallel_loop3A_333 = arith.addf %parallel_loop3A_332, %get3A_37 : vector<16xf32>
        %parallel_loop3A_334 = arith.index_cast %parallel_loop3A_135 : i32 to index
        %parallel_loop3A_335 = arith.constant 48 : index
        %parallel_loop3A_336 = tpu.vector_load %arg9[%parallel_loop3A_334, %parallel_loop3A_335] {strides = array<i32>} : memref<200x128xf32, #tpu.memory_space<vmem>>, vector<1x16xf32>,
        %parallel_loop3A_337 = vector.shape_cast %parallel_loop3A_336 : vector<1x16xf32> to vector<16xf32>
        %parallel_loop3A_338 = vector.shape_cast %parallel_loop3A_333 : vector<16xf32> to vector<1x16xf32>
        tpu.vector_store %arg9[%parallel_loop3A_334, %parallel_loop3A_335], %parallel_loop3A_338 {strides = array<i32>} : memref<200x128xf32, #tpu.memory_space<vmem>>, vector<1x16xf32>,
        %parallel_loop3A_339 = arith.subf %parallel_loop3A_180, %parallel_loop3A_277 : vector<16xf32>
        %parallel_loop3A_340 = arith.mulf %parallel_loop3A_339, %parallel_loop3A_302 : vector<16xf32>
        %parallel_loop3A_341 = arith.mulf %parallel_loop3A_340, %get3A_16 : vector<16xf32>
        %parallel_loop3A_342 = arith.addf %parallel_loop3A_341, %get3A_40 : vector<16xf32>
        %parallel_loop3A_343 = arith.index_cast %parallel_loop3A_135 : i32 to index
        %parallel_loop3A_344 = arith.constant 64 : index
        %parallel_loop3A_345 = tpu.vector_load %arg9[%parallel_loop3A_343, %parallel_loop3A_344] {strides = array<i32>} : memref<200x128xf32, #tpu.memory_space<vmem>>, vector<1x16xf32>,
        %parallel_loop3A_346 = vector.shape_cast %parallel_loop3A_345 : vector<1x16xf32> to vector<16xf32>
        %parallel_loop3A_347 = vector.shape_cast %parallel_loop3A_342 : vector<16xf32> to vector<1x16xf32>
        tpu.vector_store %arg9[%parallel_loop3A_343, %parallel_loop3A_344], %parallel_loop3A_347 {strides = array<i32>} : memref<200x128xf32, #tpu.memory_space<vmem>>, vector<1x16xf32>,
        %parallel_loop3A_348 = arith.subf %parallel_loop3A_189, %parallel_loop3A_277 : vector<16xf32>
        %parallel_loop3A_349 = arith.mulf %parallel_loop3A_348, %parallel_loop3A_302 : vector<16xf32>
        %parallel_loop3A_350 = arith.mulf %parallel_loop3A_349, %get3A_19 : vector<16xf32>
        %parallel_loop3A_351 = arith.addf %parallel_loop3A_350, %get3A_43 : vector<16xf32>
        %parallel_loop3A_352 = arith.index_cast %parallel_loop3A_135 : i32 to index
        %parallel_loop3A_353 = arith.constant 80 : index
        %parallel_loop3A_354 = tpu.vector_load %arg9[%parallel_loop3A_352, %parallel_loop3A_353] {strides = array<i32>} : memref<200x128xf32, #tpu.memory_space<vmem>>, vector<1x16xf32>,
        %parallel_loop3A_355 = vector.shape_cast %parallel_loop3A_354 : vector<1x16xf32> to vector<16xf32>
        %parallel_loop3A_356 = vector.shape_cast %parallel_loop3A_351 : vector<16xf32> to vector<1x16xf32>
        tpu.vector_store %arg9[%parallel_loop3A_352, %parallel_loop3A_353], %parallel_loop3A_356 {strides = array<i32>} : memref<200x128xf32, #tpu.memory_space<vmem>>, vector<1x16xf32>,
        %parallel_loop3A_357 = arith.subf %parallel_loop3A_198, %parallel_loop3A_277 : vector<16xf32>
        %parallel_loop3A_358 = arith.mulf %parallel_loop3A_357, %parallel_loop3A_302 : vector<16xf32>
        %parallel_loop3A_359 = arith.mulf %parallel_loop3A_358, %get3A_22 : vector<16xf32>
        %parallel_loop3A_360 = arith.addf %parallel_loop3A_359, %get3A_46 : vector<16xf32>
        %parallel_loop3A_361 = arith.index_cast %parallel_loop3A_135 : i32 to index
        %parallel_loop3A_362 = arith.constant 96 : index
        %parallel_loop3A_363 = tpu.vector_load %arg9[%parallel_loop3A_361, %parallel_loop3A_362] {strides = array<i32>} : memref<200x128xf32, #tpu.memory_space<vmem>>, vector<1x16xf32>,
        %parallel_loop3A_364 = vector.shape_cast %parallel_loop3A_363 : vector<1x16xf32> to vector<16xf32>
        %parallel_loop3A_365 = vector.shape_cast %parallel_loop3A_360 : vector<16xf32> to vector<1x16xf32>
        tpu.vector_store %arg9[%parallel_loop3A_361, %parallel_loop3A_362], %parallel_loop3A_365 {strides = array<i32>} : memref<200x128xf32, #tpu.memory_space<vmem>>, vector<1x16xf32>,
        %parallel_loop3A_366 = arith.subf %parallel_loop3A_207, %parallel_loop3A_277 : vector<16xf32>
        %parallel_loop3A_367 = arith.mulf %parallel_loop3A_366, %parallel_loop3A_302 : vector<16xf32>
        %parallel_loop3A_368 = arith.mulf %parallel_loop3A_367, %get3A_25 : vector<16xf32>
        %parallel_loop3A_369 = arith.addf %parallel_loop3A_368, %get3A_49 : vector<16xf32>
        %parallel_loop3A_370 = arith.index_cast %parallel_loop3A_135 : i32 to index
        %parallel_loop3A_371 = arith.constant 112 : index
        %parallel_loop3A_372 = tpu.vector_load %arg9[%parallel_loop3A_370, %parallel_loop3A_371] {strides = array<i32>} : memref<200x128xf32, #tpu.memory_space<vmem>>, vector<1x16xf32>,
        %parallel_loop3A_373 = vector.shape_cast %parallel_loop3A_372 : vector<1x16xf32> to vector<16xf32>
        %parallel_loop3A_374 = vector.shape_cast %parallel_loop3A_369 : vector<16xf32> to vector<1x16xf32>
        tpu.vector_store %arg9[%parallel_loop3A_370, %parallel_loop3A_371], %parallel_loop3A_374 {strides = array<i32>} : memref<200x128xf32, #tpu.memory_space<vmem>>, vector<1x16xf32>,
      } {sc.loop_unroll_factor = 5 : i64, sc.parallel_access}
      %add3A_100 = arith.addi %mul3A_2, %mul3A_91 : i32
      %dma_start3A_101 = arith.constant 0 : i32
      %dma_start3A_102 = arith.constant 0 : i32
      %dma_start3A_103 = tpu.memref_slice %arg7[%add3A_100, %dma_start3A_101, %dma_start3A_102] : memref<4096x200x128xf32, #tpu.memory_space<hbm>> -> memref<1x200x128xf32, #tpu.memory_space<hbm>>
      %dma_start3A_104 = tpu.memref_squeeze %dma_start3A_103 : memref<1x200x128xf32, #tpu.memory_space<hbm>> -> memref<200x128xf32, #tpu.memory_space<hbm>>
      %dma_start3A_105 = arith.constant 0 : i32
      %dma_start3A_106 = arith.constant 0 : i32
      %dma_start3A_107 = tpu.memref_slice %arg7[%add3A_100, %dma_start3A_105, %dma_start3A_106] : memref<4096x200x128xf32, #tpu.memory_space<hbm>> -> memref<1x200x128xf32, #tpu.memory_space<hbm>>
      %dma_start3A_108 = tpu.memref_squeeze %dma_start3A_107 : memref<1x200x128xf32, #tpu.memory_space<hbm>> -> memref<200x128xf32, #tpu.memory_space<hbm>>
      tpu.enqueue_dma source(%arg9 : memref<200x128xf32, #tpu.memory_space<vmem>>) target(%dma_start3A_108 : memref<200x128xf32, #tpu.memory_space<hbm>>) target_semaphore(%arg16 : memref<!tpu.dma_semaphore, #tpu.memory_space<semaphore_mem>>)
      %add3A_109 = arith.constant 1 : i32
      %add3A_110 = arith.addi %mul3A_91, %add3A_109 : i32
      %dma_wait3A_111 = arith.constant 0 : i32
      %dma_wait3A_112 = tpu.memref_slice %arg8[%add3A_110, %dma_wait3A_111] : memref<128x200xi32, #tpu.memory_space<vmem>> -> memref<1x200xi32, #tpu.memory_space<vmem>>
      %dma_wait3A_113 = tpu.memref_squeeze %dma_wait3A_112 : memref<1x200xi32, #tpu.memory_space<vmem>> -> memref<200xi32, #tpu.memory_space<vmem>>
      %dma_wait3A_114 = arith.constant 0 : i32
      %dma_wait3A_115 = arith.constant 0 : i32
      %dma_wait3A_116 = tpu.memref_slice %arg3[%dma_wait3A_114, %dma_wait3A_115] : memref<100000x128xf32, #tpu.memory_space<hbm>> -> memref<100000x128xf32, #tpu.memory_space<hbm>>
      tpu.wait_indirect_dma semaphore(%arg15 : memref<!tpu.dma_semaphore, #tpu.memory_space<semaphore_mem>>) src(%dma_wait3A_116 : memref<100000x128xf32, #tpu.memory_space<hbm>>) dst(%arg10 : memref<200x128xf32, #tpu.memory_space<vmem>>)
      %parallel_loop3A_117 = arith.constant 0 : i32
      %parallel_loop3A_118 = arith.constant 200 : i32
      %parallel_loop3A_119 = arith.constant 1 : i32
      scf.for %parallel_loop3A_135 = %parallel_loop3A_117 to %parallel_loop3A_118 step %parallel_loop3A_119  : i32 {
        %parallel_loop3A_136 = arith.index_cast %parallel_loop3A_135 : i32 to index
        %parallel_loop3A_137 = arith.constant 0 : index
        %parallel_loop3A_138 = tpu.vector_load %arg10[%parallel_loop3A_136, %parallel_loop3A_137] {strides = array<i32>} : memref<200x128xf32, #tpu.memory_space<vmem>>, vector<1x16xf32>,
        %parallel_loop3A_139 = vector.shape_cast %parallel_loop3A_138 : vector<1x16xf32> to vector<16xf32>
        %parallel_loop3A_140 = arith.index_cast %parallel_loop3A_135 : i32 to index
        %parallel_loop3A_141 = arith.constant 0 : index
        %parallel_loop3A_142 = tpu.vector_load %arg11[%parallel_loop3A_140, %parallel_loop3A_141] {strides = array<i32>} : memref<200x128xf32, #tpu.memory_space<vmem>>, vector<1x16xf32>,
        %parallel_loop3A_143 = vector.shape_cast %parallel_loop3A_142 : vector<1x16xf32> to vector<16xf32>
        %parallel_loop3A_144 = arith.addf %parallel_loop3A_139, %parallel_loop3A_143 : vector<16xf32>
        %parallel_loop3A_145 = arith.index_cast %parallel_loop3A_135 : i32 to index
        %parallel_loop3A_146 = arith.constant 16 : index
        %parallel_loop3A_147 = tpu.vector_load %arg10[%parallel_loop3A_145, %parallel_loop3A_146] {strides = array<i32>} : memref<200x128xf32, #tpu.memory_space<vmem>>, vector<1x16xf32>,
        %parallel_loop3A_148 = vector.shape_cast %parallel_loop3A_147 : vector<1x16xf32> to vector<16xf32>
        %parallel_loop3A_149 = arith.index_cast %parallel_loop3A_135 : i32 to index
        %parallel_loop3A_150 = arith.constant 16 : index
        %parallel_loop3A_151 = tpu.vector_load %arg11[%parallel_loop3A_149, %parallel_loop3A_150] {strides = array<i32>} : memref<200x128xf32, #tpu.memory_space<vmem>>, vector<1x16xf32>,
        %parallel_loop3A_152 = vector.shape_cast %parallel_loop3A_151 : vector<1x16xf32> to vector<16xf32>
        %parallel_loop3A_153 = arith.addf %parallel_loop3A_148, %parallel_loop3A_152 : vector<16xf32>
        %parallel_loop3A_154 = arith.index_cast %parallel_loop3A_135 : i32 to index
        %parallel_loop3A_155 = arith.constant 32 : index
        %parallel_loop3A_156 = tpu.vector_load %arg10[%parallel_loop3A_154, %parallel_loop3A_155] {strides = array<i32>} : memref<200x128xf32, #tpu.memory_space<vmem>>, vector<1x16xf32>,
        %parallel_loop3A_157 = vector.shape_cast %parallel_loop3A_156 : vector<1x16xf32> to vector<16xf32>
        %parallel_loop3A_158 = arith.index_cast %parallel_loop3A_135 : i32 to index
        %parallel_loop3A_159 = arith.constant 32 : index
        %parallel_loop3A_160 = tpu.vector_load %arg11[%parallel_loop3A_158, %parallel_loop3A_159] {strides = array<i32>} : memref<200x128xf32, #tpu.memory_space<vmem>>, vector<1x16xf32>,
        %parallel_loop3A_161 = vector.shape_cast %parallel_loop3A_160 : vector<1x16xf32> to vector<16xf32>
        %parallel_loop3A_162 = arith.addf %parallel_loop3A_157, %parallel_loop3A_161 : vector<16xf32>
        %parallel_loop3A_163 = arith.index_cast %parallel_loop3A_135 : i32 to index
        %parallel_loop3A_164 = arith.constant 48 : index
        %parallel_loop3A_165 = tpu.vector_load %arg10[%parallel_loop3A_163, %parallel_loop3A_164] {strides = array<i32>} : memref<200x128xf32, #tpu.memory_space<vmem>>, vector<1x16xf32>,
        %parallel_loop3A_166 = vector.shape_cast %parallel_loop3A_165 : vector<1x16xf32> to vector<16xf32>
        %parallel_loop3A_167 = arith.index_cast %parallel_loop3A_135 : i32 to index
        %parallel_loop3A_168 = arith.constant 48 : index
        %parallel_loop3A_169 = tpu.vector_load %arg11[%parallel_loop3A_167, %parallel_loop3A_168] {strides = array<i32>} : memref<200x128xf32, #tpu.memory_space<vmem>>, vector<1x16xf32>,
        %parallel_loop3A_170 = vector.shape_cast %parallel_loop3A_169 : vector<1x16xf32> to vector<16xf32>
        %parallel_loop3A_171 = arith.addf %parallel_loop3A_166, %parallel_loop3A_170 : vector<16xf32>
        %parallel_loop3A_172 = arith.index_cast %parallel_loop3A_135 : i32 to index
        %parallel_loop3A_173 = arith.constant 64 : index
        %parallel_loop3A_174 = tpu.vector_load %arg10[%parallel_loop3A_172, %parallel_loop3A_173] {strides = array<i32>} : memref<200x128xf32, #tpu.memory_space<vmem>>, vector<1x16xf32>,
        %parallel_loop3A_175 = vector.shape_cast %parallel_loop3A_174 : vector<1x16xf32> to vector<16xf32>
        %parallel_loop3A_176 = arith.index_cast %parallel_loop3A_135 : i32 to index
        %parallel_loop3A_177 = arith.constant 64 : index
        %parallel_loop3A_178 = tpu.vector_load %arg11[%parallel_loop3A_176, %parallel_loop3A_177] {strides = array<i32>} : memref<200x128xf32, #tpu.memory_space<vmem>>, vector<1x16xf32>,
        %parallel_loop3A_179 = vector.shape_cast %parallel_loop3A_178 : vector<1x16xf32> to vector<16xf32>
        %parallel_loop3A_180 = arith.addf %parallel_loop3A_175, %parallel_loop3A_179 : vector<16xf32>
        %parallel_loop3A_181 = arith.index_cast %parallel_loop3A_135 : i32 to index
        %parallel_loop3A_182 = arith.constant 80 : index
        %parallel_loop3A_183 = tpu.vector_load %arg10[%parallel_loop3A_181, %parallel_loop3A_182] {strides = array<i32>} : memref<200x128xf32, #tpu.memory_space<vmem>>, vector<1x16xf32>,
        %parallel_loop3A_184 = vector.shape_cast %parallel_loop3A_183 : vector<1x16xf32> to vector<16xf32>
        %parallel_loop3A_185 = arith.index_cast %parallel_loop3A_135 : i32 to index
        %parallel_loop3A_186 = arith.constant 80 : index
        %parallel_loop3A_187 = tpu.vector_load %arg11[%parallel_loop3A_185, %parallel_loop3A_186] {strides = array<i32>} : memref<200x128xf32, #tpu.memory_space<vmem>>, vector<1x16xf32>,
        %parallel_loop3A_188 = vector.shape_cast %parallel_loop3A_187 : vector<1x16xf32> to vector<16xf32>
        %parallel_loop3A_189 = arith.addf %parallel_loop3A_184, %parallel_loop3A_188 : vector<16xf32>
        %parallel_loop3A_190 = arith.index_cast %parallel_loop3A_135 : i32 to index
        %parallel_loop3A_191 = arith.constant 96 : index
        %parallel_loop3A_192 = tpu.vector_load %arg10[%parallel_loop3A_190, %parallel_loop3A_191] {strides = array<i32>} : memref<200x128xf32, #tpu.memory_space<vmem>>, vector<1x16xf32>,
        %parallel_loop3A_193 = vector.shape_cast %parallel_loop3A_192 : vector<1x16xf32> to vector<16xf32>
        %parallel_loop3A_194 = arith.index_cast %parallel_loop3A_135 : i32 to index
        %parallel_loop3A_195 = arith.constant 96 : index
        %parallel_loop3A_196 = tpu.vector_load %arg11[%parallel_loop3A_194, %parallel_loop3A_195] {strides = array<i32>} : memref<200x128xf32, #tpu.memory_space<vmem>>, vector<1x16xf32>,
        %parallel_loop3A_197 = vector.shape_cast %parallel_loop3A_196 : vector<1x16xf32> to vector<16xf32>
        %parallel_loop3A_198 = arith.addf %parallel_loop3A_193, %parallel_loop3A_197 : vector<16xf32>
        %parallel_loop3A_199 = arith.index_cast %parallel_loop3A_135 : i32 to index
        %parallel_loop3A_200 = arith.constant 112 : index
        %parallel_loop3A_201 = tpu.vector_load %arg10[%parallel_loop3A_199, %parallel_loop3A_200] {strides = array<i32>} : memref<200x128xf32, #tpu.memory_space<vmem>>, vector<1x16xf32>,
        %parallel_loop3A_202 = vector.shape_cast %parallel_loop3A_201 : vector<1x16xf32> to vector<16xf32>
        %parallel_loop3A_203 = arith.index_cast %parallel_loop3A_135 : i32 to index
        %parallel_loop3A_204 = arith.constant 112 : index
        %parallel_loop3A_205 = tpu.vector_load %arg11[%parallel_loop3A_203, %parallel_loop3A_204] {strides = array<i32>} : memref<200x128xf32, #tpu.memory_space<vmem>>, vector<1x16xf32>,
        %parallel_loop3A_206 = vector.shape_cast %parallel_loop3A_205 : vector<1x16xf32> to vector<16xf32>
        %parallel_loop3A_207 = arith.addf %parallel_loop3A_202, %parallel_loop3A_206 : vector<16xf32>
        %parallel_loop3A_208 = arith.addf %parallel_loop3A_144, %parallel_loop3A_153 : vector<16xf32>
        %parallel_loop3A_209 = arith.addf %parallel_loop3A_162, %parallel_loop3A_171 : vector<16xf32>
        %parallel_loop3A_210 = arith.addf %parallel_loop3A_180, %parallel_loop3A_189 : vector<16xf32>
        %parallel_loop3A_211 = arith.addf %parallel_loop3A_198, %parallel_loop3A_207 : vector<16xf32>
        %parallel_loop3A_212 = arith.addf %parallel_loop3A_208, %parallel_loop3A_209 : vector<16xf32>
        %parallel_loop3A_213 = arith.addf %parallel_loop3A_210, %parallel_loop3A_211 : vector<16xf32>
        %parallel_loop3A_214 = arith.addf %parallel_loop3A_212, %parallel_loop3A_213 : vector<16xf32>
        %parallel_loop3A_215 = arith.mulf %parallel_loop3A_144, %parallel_loop3A_144 : vector<16xf32>
        %parallel_loop3A_216 = arith.mulf %parallel_loop3A_153, %parallel_loop3A_153 : vector<16xf32>
        %parallel_loop3A_217 = arith.addf %parallel_loop3A_215, %parallel_loop3A_216 : vector<16xf32>
        %parallel_loop3A_218 = arith.mulf %parallel_loop3A_162, %parallel_loop3A_162 : vector<16xf32>
        %parallel_loop3A_219 = arith.mulf %parallel_loop3A_171, %parallel_loop3A_171 : vector<16xf32>
        %parallel_loop3A_220 = arith.addf %parallel_loop3A_218, %parallel_loop3A_219 : vector<16xf32>
        %parallel_loop3A_221 = arith.mulf %parallel_loop3A_180, %parallel_loop3A_180 : vector<16xf32>
        %parallel_loop3A_222 = arith.mulf %parallel_loop3A_189, %parallel_loop3A_189 : vector<16xf32>
        %parallel_loop3A_223 = arith.addf %parallel_loop3A_221, %parallel_loop3A_222 : vector<16xf32>
        %parallel_loop3A_224 = arith.mulf %parallel_loop3A_198, %parallel_loop3A_198 : vector<16xf32>
        %parallel_loop3A_225 = arith.mulf %parallel_loop3A_207, %parallel_loop3A_207 : vector<16xf32>
        %parallel_loop3A_226 = arith.addf %parallel_loop3A_224, %parallel_loop3A_225 : vector<16xf32>
        %parallel_loop3A_227 = arith.addf %parallel_loop3A_217, %parallel_loop3A_220 : vector<16xf32>
        %parallel_loop3A_228 = arith.addf %parallel_loop3A_223, %parallel_loop3A_226 : vector<16xf32>
        %parallel_loop3A_229 = arith.addf %parallel_loop3A_227, %parallel_loop3A_228 : vector<16xf32>
        %parallel_loop3A_230 = tpu.iota {dimensions = array<i32: 0>} : vector<16xi32>
        %parallel_loop3A_231 = arith.constant 1 : i32
        %parallel_loop3A_232 = vector.broadcast %parallel_loop3A_231 : i32 to vector<16xi32>
        %parallel_loop3A_233 = arith.xori %parallel_loop3A_230, %parallel_loop3A_232 : vector<16xi32>
        %parallel_loop3A_234 = vector.shape_cast %parallel_loop3A_233 : vector<16xi32> to vector<16x1xi32>
        %parallel_loop3A_235 = vector.shape_cast %parallel_loop3A_234 : vector<16x1xi32> to vector<16xi32>
        %parallel_loop3A_236 = tpu.dynamic_gather %parallel_loop3A_214[%parallel_loop3A_235] in [0] : vector<16xf32>, vector<16xi32> -> vector<16xf32>
        %parallel_loop3A_237 = arith.addf %parallel_loop3A_214, %parallel_loop3A_236 : vector<16xf32>
        %parallel_loop3A_238 = vector.shape_cast %parallel_loop3A_233 : vector<16xi32> to vector<16x1xi32>
        %parallel_loop3A_239 = vector.shape_cast %parallel_loop3A_238 : vector<16x1xi32> to vector<16xi32>
        %parallel_loop3A_240 = tpu.dynamic_gather %parallel_loop3A_229[%parallel_loop3A_239] in [0] : vector<16xf32>, vector<16xi32> -> vector<16xf32>
        %parallel_loop3A_241 = arith.addf %parallel_loop3A_229, %parallel_loop3A_240 : vector<16xf32>
        %parallel_loop3A_242 = arith.constant 2 : i32
        %parallel_loop3A_243 = vector.broadcast %parallel_loop3A_242 : i32 to vector<16xi32>
        %parallel_loop3A_244 = arith.xori %parallel_loop3A_230, %parallel_loop3A_243 : vector<16xi32>
        %parallel_loop3A_245 = vector.shape_cast %parallel_loop3A_244 : vector<16xi32> to vector<16x1xi32>
        %parallel_loop3A_246 = vector.shape_cast %parallel_loop3A_245 : vector<16x1xi32> to vector<16xi32>
        %parallel_loop3A_247 = tpu.dynamic_gather %parallel_loop3A_237[%parallel_loop3A_246] in [0] : vector<16xf32>, vector<16xi32> -> vector<16xf32>
        %parallel_loop3A_248 = arith.addf %parallel_loop3A_237, %parallel_loop3A_247 : vector<16xf32>
        %parallel_loop3A_249 = vector.shape_cast %parallel_loop3A_244 : vector<16xi32> to vector<16x1xi32>
        %parallel_loop3A_250 = vector.shape_cast %parallel_loop3A_249 : vector<16x1xi32> to vector<16xi32>
        %parallel_loop3A_251 = tpu.dynamic_gather %parallel_loop3A_241[%parallel_loop3A_250] in [0] : vector<16xf32>, vector<16xi32> -> vector<16xf32>
        %parallel_loop3A_252 = arith.addf %parallel_loop3A_241, %parallel_loop3A_251 : vector<16xf32>
        %parallel_loop3A_253 = arith.constant 4 : i32
        %parallel_loop3A_254 = vector.broadcast %parallel_loop3A_253 : i32 to vector<16xi32>
        %parallel_loop3A_255 = arith.xori %parallel_loop3A_230, %parallel_loop3A_254 : vector<16xi32>
        %parallel_loop3A_256 = vector.shape_cast %parallel_loop3A_255 : vector<16xi32> to vector<16x1xi32>
        %parallel_loop3A_257 = vector.shape_cast %parallel_loop3A_256 : vector<16x1xi32> to vector<16xi32>
        %parallel_loop3A_258 = tpu.dynamic_gather %parallel_loop3A_248[%parallel_loop3A_257] in [0] : vector<16xf32>, vector<16xi32> -> vector<16xf32>
        %parallel_loop3A_259 = arith.addf %parallel_loop3A_248, %parallel_loop3A_258 : vector<16xf32>
        %parallel_loop3A_260 = vector.shape_cast %parallel_loop3A_255 : vector<16xi32> to vector<16x1xi32>
        %parallel_loop3A_261 = vector.shape_cast %parallel_loop3A_260 : vector<16x1xi32> to vector<16xi32>
        %parallel_loop3A_262 = tpu.dynamic_gather %parallel_loop3A_252[%parallel_loop3A_261] in [0] : vector<16xf32>, vector<16xi32> -> vector<16xf32>
        %parallel_loop3A_263 = arith.addf %parallel_loop3A_252, %parallel_loop3A_262 : vector<16xf32>
        %parallel_loop3A_264 = arith.constant 8 : i32
        %parallel_loop3A_265 = vector.broadcast %parallel_loop3A_264 : i32 to vector<16xi32>
        %parallel_loop3A_266 = arith.xori %parallel_loop3A_230, %parallel_loop3A_265 : vector<16xi32>
        %parallel_loop3A_267 = vector.shape_cast %parallel_loop3A_266 : vector<16xi32> to vector<16x1xi32>
        %parallel_loop3A_268 = vector.shape_cast %parallel_loop3A_267 : vector<16x1xi32> to vector<16xi32>
        %parallel_loop3A_269 = tpu.dynamic_gather %parallel_loop3A_259[%parallel_loop3A_268] in [0] : vector<16xf32>, vector<16xi32> -> vector<16xf32>
        %parallel_loop3A_270 = arith.addf %parallel_loop3A_259, %parallel_loop3A_269 : vector<16xf32>
        %parallel_loop3A_271 = vector.shape_cast %parallel_loop3A_266 : vector<16xi32> to vector<16x1xi32>
        %parallel_loop3A_272 = vector.shape_cast %parallel_loop3A_271 : vector<16x1xi32> to vector<16xi32>
        %parallel_loop3A_273 = tpu.dynamic_gather %parallel_loop3A_263[%parallel_loop3A_272] in [0] : vector<16xf32>, vector<16xi32> -> vector<16xf32>
        %parallel_loop3A_274 = arith.addf %parallel_loop3A_263, %parallel_loop3A_273 : vector<16xf32>
        %parallel_loop3A_275 = arith.constant 7.812500e-03 : f32
        %parallel_loop3A_276 = vector.broadcast %parallel_loop3A_275 : f32 to vector<16xf32>
        %parallel_loop3A_277 = arith.mulf %parallel_loop3A_270, %parallel_loop3A_276 : vector<16xf32>
        %parallel_loop3A_278 = arith.constant 7.812500e-03 : f32
        %parallel_loop3A_279 = vector.broadcast %parallel_loop3A_278 : f32 to vector<16xf32>
        %parallel_loop3A_280 = arith.mulf %parallel_loop3A_274, %parallel_loop3A_279 : vector<16xf32>
        %parallel_loop3A_281 = arith.mulf %parallel_loop3A_277, %parallel_loop3A_277 : vector<16xf32>
        %parallel_loop3A_282 = arith.subf %parallel_loop3A_280, %parallel_loop3A_281 : vector<16xf32>
        %parallel_loop3A_283 = arith.constant 9.99999974E-6 : f32
        %parallel_loop3A_284 = vector.broadcast %parallel_loop3A_283 : f32 to vector<16xf32>
        %parallel_loop3A_285 = arith.addf %parallel_loop3A_282, %parallel_loop3A_284 : vector<16xf32>
        %parallel_loop3A_286 = tpu.bitcast %parallel_loop3A_285 : vector<16xf32> -> vector<16xi32>
        %parallel_loop3A_287 = arith.constant 1 : i32
        %parallel_loop3A_288 = vector.broadcast %parallel_loop3A_287 : i32 to vector<16xi32>
        %parallel_loop3A_289 = arith.shrui %parallel_loop3A_286, %parallel_loop3A_288 : vector<16xi32>
        %parallel_loop3A_290 = arith.constant 1597463174 : i32
        %parallel_loop3A_291 = vector.broadcast %parallel_loop3A_290 : i32 to vector<16xi32>
        %parallel_loop3A_292 = arith.subi %parallel_loop3A_291, %parallel_loop3A_289 : vector<16xi32>
        %parallel_loop3A_293 = tpu.bitcast %parallel_loop3A_292 : vector<16xi32> -> vector<16xf32>
        %parallel_loop3A_294 = arith.constant 5.000000e-01 : f32
        %parallel_loop3A_295 = vector.broadcast %parallel_loop3A_294 : f32 to vector<16xf32>
        %parallel_loop3A_296 = arith.mulf %parallel_loop3A_295, %parallel_loop3A_285 : vector<16xf32>
        %parallel_loop3A_297 = arith.mulf %parallel_loop3A_296, %parallel_loop3A_293 : vector<16xf32>
        %parallel_loop3A_298 = arith.mulf %parallel_loop3A_297, %parallel_loop3A_293 : vector<16xf32>
        %parallel_loop3A_299 = arith.constant 1.500000e+00 : f32
        %parallel_loop3A_300 = vector.broadcast %parallel_loop3A_299 : f32 to vector<16xf32>
        %parallel_loop3A_301 = arith.subf %parallel_loop3A_300, %parallel_loop3A_298 : vector<16xf32>
        %parallel_loop3A_302 = arith.mulf %parallel_loop3A_293, %parallel_loop3A_301 : vector<16xf32>
        %parallel_loop3A_303 = arith.subf %parallel_loop3A_144, %parallel_loop3A_277 : vector<16xf32>
        %parallel_loop3A_304 = arith.mulf %parallel_loop3A_303, %parallel_loop3A_302 : vector<16xf32>
        %parallel_loop3A_305 = arith.mulf %parallel_loop3A_304, %get3A_4 : vector<16xf32>
        %parallel_loop3A_306 = arith.addf %parallel_loop3A_305, %get3A_28 : vector<16xf32>
        %parallel_loop3A_307 = arith.index_cast %parallel_loop3A_135 : i32 to index
        %parallel_loop3A_308 = arith.constant 0 : index
        %parallel_loop3A_309 = tpu.vector_load %arg10[%parallel_loop3A_307, %parallel_loop3A_308] {strides = array<i32>} : memref<200x128xf32, #tpu.memory_space<vmem>>, vector<1x16xf32>,
        %parallel_loop3A_310 = vector.shape_cast %parallel_loop3A_309 : vector<1x16xf32> to vector<16xf32>
        %parallel_loop3A_311 = vector.shape_cast %parallel_loop3A_306 : vector<16xf32> to vector<1x16xf32>
        tpu.vector_store %arg10[%parallel_loop3A_307, %parallel_loop3A_308], %parallel_loop3A_311 {strides = array<i32>} : memref<200x128xf32, #tpu.memory_space<vmem>>, vector<1x16xf32>,
        %parallel_loop3A_312 = arith.subf %parallel_loop3A_153, %parallel_loop3A_277 : vector<16xf32>
        %parallel_loop3A_313 = arith.mulf %parallel_loop3A_312, %parallel_loop3A_302 : vector<16xf32>
        %parallel_loop3A_314 = arith.mulf %parallel_loop3A_313, %get3A_7 : vector<16xf32>
        %parallel_loop3A_315 = arith.addf %parallel_loop3A_314, %get3A_31 : vector<16xf32>
        %parallel_loop3A_316 = arith.index_cast %parallel_loop3A_135 : i32 to index
        %parallel_loop3A_317 = arith.constant 16 : index
        %parallel_loop3A_318 = tpu.vector_load %arg10[%parallel_loop3A_316, %parallel_loop3A_317] {strides = array<i32>} : memref<200x128xf32, #tpu.memory_space<vmem>>, vector<1x16xf32>,
        %parallel_loop3A_319 = vector.shape_cast %parallel_loop3A_318 : vector<1x16xf32> to vector<16xf32>
        %parallel_loop3A_320 = vector.shape_cast %parallel_loop3A_315 : vector<16xf32> to vector<1x16xf32>
        tpu.vector_store %arg10[%parallel_loop3A_316, %parallel_loop3A_317], %parallel_loop3A_320 {strides = array<i32>} : memref<200x128xf32, #tpu.memory_space<vmem>>, vector<1x16xf32>,
        %parallel_loop3A_321 = arith.subf %parallel_loop3A_162, %parallel_loop3A_277 : vector<16xf32>
        %parallel_loop3A_322 = arith.mulf %parallel_loop3A_321, %parallel_loop3A_302 : vector<16xf32>
        %parallel_loop3A_323 = arith.mulf %parallel_loop3A_322, %get3A_10 : vector<16xf32>
        %parallel_loop3A_324 = arith.addf %parallel_loop3A_323, %get3A_34 : vector<16xf32>
        %parallel_loop3A_325 = arith.index_cast %parallel_loop3A_135 : i32 to index
        %parallel_loop3A_326 = arith.constant 32 : index
        %parallel_loop3A_327 = tpu.vector_load %arg10[%parallel_loop3A_325, %parallel_loop3A_326] {strides = array<i32>} : memref<200x128xf32, #tpu.memory_space<vmem>>, vector<1x16xf32>,
        %parallel_loop3A_328 = vector.shape_cast %parallel_loop3A_327 : vector<1x16xf32> to vector<16xf32>
        %parallel_loop3A_329 = vector.shape_cast %parallel_loop3A_324 : vector<16xf32> to vector<1x16xf32>
        tpu.vector_store %arg10[%parallel_loop3A_325, %parallel_loop3A_326], %parallel_loop3A_329 {strides = array<i32>} : memref<200x128xf32, #tpu.memory_space<vmem>>, vector<1x16xf32>,
        %parallel_loop3A_330 = arith.subf %parallel_loop3A_171, %parallel_loop3A_277 : vector<16xf32>
        %parallel_loop3A_331 = arith.mulf %parallel_loop3A_330, %parallel_loop3A_302 : vector<16xf32>
        %parallel_loop3A_332 = arith.mulf %parallel_loop3A_331, %get3A_13 : vector<16xf32>
        %parallel_loop3A_333 = arith.addf %parallel_loop3A_332, %get3A_37 : vector<16xf32>
        %parallel_loop3A_334 = arith.index_cast %parallel_loop3A_135 : i32 to index
        %parallel_loop3A_335 = arith.constant 48 : index
        %parallel_loop3A_336 = tpu.vector_load %arg10[%parallel_loop3A_334, %parallel_loop3A_335] {strides = array<i32>} : memref<200x128xf32, #tpu.memory_space<vmem>>, vector<1x16xf32>,
        %parallel_loop3A_337 = vector.shape_cast %parallel_loop3A_336 : vector<1x16xf32> to vector<16xf32>
        %parallel_loop3A_338 = vector.shape_cast %parallel_loop3A_333 : vector<16xf32> to vector<1x16xf32>
        tpu.vector_store %arg10[%parallel_loop3A_334, %parallel_loop3A_335], %parallel_loop3A_338 {strides = array<i32>} : memref<200x128xf32, #tpu.memory_space<vmem>>, vector<1x16xf32>,
        %parallel_loop3A_339 = arith.subf %parallel_loop3A_180, %parallel_loop3A_277 : vector<16xf32>
        %parallel_loop3A_340 = arith.mulf %parallel_loop3A_339, %parallel_loop3A_302 : vector<16xf32>
        %parallel_loop3A_341 = arith.mulf %parallel_loop3A_340, %get3A_16 : vector<16xf32>
        %parallel_loop3A_342 = arith.addf %parallel_loop3A_341, %get3A_40 : vector<16xf32>
        %parallel_loop3A_343 = arith.index_cast %parallel_loop3A_135 : i32 to index
        %parallel_loop3A_344 = arith.constant 64 : index
        %parallel_loop3A_345 = tpu.vector_load %arg10[%parallel_loop3A_343, %parallel_loop3A_344] {strides = array<i32>} : memref<200x128xf32, #tpu.memory_space<vmem>>, vector<1x16xf32>,
        %parallel_loop3A_346 = vector.shape_cast %parallel_loop3A_345 : vector<1x16xf32> to vector<16xf32>
        %parallel_loop3A_347 = vector.shape_cast %parallel_loop3A_342 : vector<16xf32> to vector<1x16xf32>
        tpu.vector_store %arg10[%parallel_loop3A_343, %parallel_loop3A_344], %parallel_loop3A_347 {strides = array<i32>} : memref<200x128xf32, #tpu.memory_space<vmem>>, vector<1x16xf32>,
        %parallel_loop3A_348 = arith.subf %parallel_loop3A_189, %parallel_loop3A_277 : vector<16xf32>
        %parallel_loop3A_349 = arith.mulf %parallel_loop3A_348, %parallel_loop3A_302 : vector<16xf32>
        %parallel_loop3A_350 = arith.mulf %parallel_loop3A_349, %get3A_19 : vector<16xf32>
        %parallel_loop3A_351 = arith.addf %parallel_loop3A_350, %get3A_43 : vector<16xf32>
        %parallel_loop3A_352 = arith.index_cast %parallel_loop3A_135 : i32 to index
        %parallel_loop3A_353 = arith.constant 80 : index
        %parallel_loop3A_354 = tpu.vector_load %arg10[%parallel_loop3A_352, %parallel_loop3A_353] {strides = array<i32>} : memref<200x128xf32, #tpu.memory_space<vmem>>, vector<1x16xf32>,
        %parallel_loop3A_355 = vector.shape_cast %parallel_loop3A_354 : vector<1x16xf32> to vector<16xf32>
        %parallel_loop3A_356 = vector.shape_cast %parallel_loop3A_351 : vector<16xf32> to vector<1x16xf32>
        tpu.vector_store %arg10[%parallel_loop3A_352, %parallel_loop3A_353], %parallel_loop3A_356 {strides = array<i32>} : memref<200x128xf32, #tpu.memory_space<vmem>>, vector<1x16xf32>,
        %parallel_loop3A_357 = arith.subf %parallel_loop3A_198, %parallel_loop3A_277 : vector<16xf32>
        %parallel_loop3A_358 = arith.mulf %parallel_loop3A_357, %parallel_loop3A_302 : vector<16xf32>
        %parallel_loop3A_359 = arith.mulf %parallel_loop3A_358, %get3A_22 : vector<16xf32>
        %parallel_loop3A_360 = arith.addf %parallel_loop3A_359, %get3A_46 : vector<16xf32>
        %parallel_loop3A_361 = arith.index_cast %parallel_loop3A_135 : i32 to index
        %parallel_loop3A_362 = arith.constant 96 : index
        %parallel_loop3A_363 = tpu.vector_load %arg10[%parallel_loop3A_361, %parallel_loop3A_362] {strides = array<i32>} : memref<200x128xf32, #tpu.memory_space<vmem>>, vector<1x16xf32>,
        %parallel_loop3A_364 = vector.shape_cast %parallel_loop3A_363 : vector<1x16xf32> to vector<16xf32>
        %parallel_loop3A_365 = vector.shape_cast %parallel_loop3A_360 : vector<16xf32> to vector<1x16xf32>
        tpu.vector_store %arg10[%parallel_loop3A_361, %parallel_loop3A_362], %parallel_loop3A_365 {strides = array<i32>} : memref<200x128xf32, #tpu.memory_space<vmem>>, vector<1x16xf32>,
        %parallel_loop3A_366 = arith.subf %parallel_loop3A_207, %parallel_loop3A_277 : vector<16xf32>
        %parallel_loop3A_367 = arith.mulf %parallel_loop3A_366, %parallel_loop3A_302 : vector<16xf32>
        %parallel_loop3A_368 = arith.mulf %parallel_loop3A_367, %get3A_25 : vector<16xf32>
        %parallel_loop3A_369 = arith.addf %parallel_loop3A_368, %get3A_49 : vector<16xf32>
        %parallel_loop3A_370 = arith.index_cast %parallel_loop3A_135 : i32 to index
        %parallel_loop3A_371 = arith.constant 112 : index
        %parallel_loop3A_372 = tpu.vector_load %arg10[%parallel_loop3A_370, %parallel_loop3A_371] {strides = array<i32>} : memref<200x128xf32, #tpu.memory_space<vmem>>, vector<1x16xf32>,
        %parallel_loop3A_373 = vector.shape_cast %parallel_loop3A_372 : vector<1x16xf32> to vector<16xf32>
        %parallel_loop3A_374 = vector.shape_cast %parallel_loop3A_369 : vector<16xf32> to vector<1x16xf32>
        tpu.vector_store %arg10[%parallel_loop3A_370, %parallel_loop3A_371], %parallel_loop3A_374 {strides = array<i32>} : memref<200x128xf32, #tpu.memory_space<vmem>>, vector<1x16xf32>,
      } {sc.loop_unroll_factor = 5 : i64, sc.parallel_access}
      %add3A_120 = arith.constant 1 : i32
      %add3A_121 = arith.addi %mul3A_91, %add3A_120 : i32
      %add3A_122 = arith.addi %mul3A_2, %add3A_121 : i32
      %dma_start3A_123 = arith.constant 0 : i32
      %dma_start3A_124 = arith.constant 0 : i32
      %dma_start3A_125 = tpu.memref_slice %arg7[%add3A_122, %dma_start3A_123, %dma_start3A_124] : memref<4096x200x128xf32, #tpu.memory_space<hbm>> -> memref<1x200x128xf32, #tpu.memory_space<hbm>>
      %dma_start3A_126 = tpu.memref_squeeze %dma_start3A_125 : memref<1x200x128xf32, #tpu.memory_space<hbm>> -> memref<200x128xf32, #tpu.memory_space<hbm>>
      %dma_start3A_127 = arith.constant 0 : i32
      %dma_start3A_128 = arith.constant 0 : i32
      %dma_start3A_129 = tpu.memref_slice %arg7[%add3A_122, %dma_start3A_127, %dma_start3A_128] : memref<4096x200x128xf32, #tpu.memory_space<hbm>> -> memref<1x200x128xf32, #tpu.memory_space<hbm>>
      %dma_start3A_130 = tpu.memref_squeeze %dma_start3A_129 : memref<1x200x128xf32, #tpu.memory_space<hbm>> -> memref<200x128xf32, #tpu.memory_space<hbm>>
      tpu.enqueue_dma source(%arg10 : memref<200x128xf32, #tpu.memory_space<vmem>>) target(%dma_start3A_130 : memref<200x128xf32, #tpu.memory_space<hbm>>) target_semaphore(%arg17 : memref<!tpu.dma_semaphore, #tpu.memory_space<semaphore_mem>>)
      %add3A_131 = arith.constant 2 : i32
      %add3A_132 = arith.addi %mul3A_91, %add3A_131 : i32
      %lt3A = arith.constant 128 : i32
      %lt3A_133 = arith.cmpi slt, %add3A_132, %lt3A : i32
      %convert_element_type3A = arith.extui %lt3A_133 : i1 to i32
      %cond3A = arith.constant 0 : i32
      %cond3A_134 = arith.cmpi ne, %convert_element_type3A, %cond3A : i32
      scf.if %cond3A_134 {
        %add3A_135 = arith.addi %mul3A_2, %mul3A_91 : i32
        %dma_wait3A_136 = arith.constant 0 : i32
        %dma_wait3A_137 = arith.constant 0 : i32
        %dma_wait3A_138 = tpu.memref_slice %arg7[%add3A_135, %dma_wait3A_136, %dma_wait3A_137] : memref<4096x200x128xf32, #tpu.memory_space<hbm>> -> memref<1x200x128xf32, #tpu.memory_space<hbm>>
        %dma_wait3A_139 = tpu.memref_squeeze %dma_wait3A_138 : memref<1x200x128xf32, #tpu.memory_space<hbm>> -> memref<200x128xf32, #tpu.memory_space<hbm>>
        %dma_wait3A_140 = arith.constant 0 : i32
        %dma_wait3A_141 = arith.constant 0 : i32
        %dma_wait3A_142 = tpu.memref_slice %arg7[%add3A_135, %dma_wait3A_140, %dma_wait3A_141] : memref<4096x200x128xf32, #tpu.memory_space<hbm>> -> memref<1x200x128xf32, #tpu.memory_space<hbm>>
        %dma_wait3A_143 = tpu.memref_squeeze %dma_wait3A_142 : memref<1x200x128xf32, #tpu.memory_space<hbm>> -> memref<200x128xf32, #tpu.memory_space<hbm>>
        tpu.wait_dma2 semaphore(%arg16 : memref<!tpu.dma_semaphore, #tpu.memory_space<semaphore_mem>>) src(%arg9 : memref<200x128xf32, #tpu.memory_space<vmem>>) dst(%dma_wait3A_143 : memref<200x128xf32, #tpu.memory_space<hbm>>)
        %add3A_144 = arith.constant 2 : i32
        %add3A_145 = arith.addi %mul3A_91, %add3A_144 : i32
        %dma_start3A_146 = arith.constant 0 : i32
        %dma_start3A_147 = tpu.memref_slice %arg8[%add3A_145, %dma_start3A_146] : memref<128x200xi32, #tpu.memory_space<vmem>> -> memref<1x200xi32, #tpu.memory_space<vmem>>
        %dma_start3A_148 = tpu.memref_squeeze %dma_start3A_147 : memref<1x200xi32, #tpu.memory_space<vmem>> -> memref<200xi32, #tpu.memory_space<vmem>>
        %dma_start3A_149 = arith.constant 0 : i32
        %dma_start3A_150 = arith.constant 0 : i32
        %dma_start3A_151 = tpu.memref_slice %arg3[%dma_start3A_149, %dma_start3A_150] : memref<100000x128xf32, #tpu.memory_space<hbm>> -> memref<100000x128xf32, #tpu.memory_space<hbm>>
        tpu.enqueue_indirect_dma source(%dma_start3A_151 : memref<100000x128xf32, #tpu.memory_space<hbm>>) target(%arg9 : memref<200x128xf32, #tpu.memory_space<vmem>>) offsets(%dma_start3A_148 : memref<200xi32, #tpu.memory_space<vmem>>) semaphore(%arg14 : memref<!tpu.dma_semaphore, #tpu.memory_space<semaphore_mem>>)
        %add3A_152 = arith.addi %mul3A_2, %mul3A_91 : i32
        %add3A_153 = arith.constant 1 : i32
        %add3A_154 = arith.addi %add3A_152, %add3A_153 : i32
        %dma_wait3A_155 = arith.constant 0 : i32
        %dma_wait3A_156 = arith.constant 0 : i32
        %dma_wait3A_157 = tpu.memref_slice %arg7[%add3A_154, %dma_wait3A_155, %dma_wait3A_156] : memref<4096x200x128xf32, #tpu.memory_space<hbm>> -> memref<1x200x128xf32, #tpu.memory_space<hbm>>
        %dma_wait3A_158 = tpu.memref_squeeze %dma_wait3A_157 : memref<1x200x128xf32, #tpu.memory_space<hbm>> -> memref<200x128xf32, #tpu.memory_space<hbm>>
        %dma_wait3A_159 = arith.constant 0 : i32
        %dma_wait3A_160 = arith.constant 0 : i32
        %dma_wait3A_161 = tpu.memref_slice %arg7[%add3A_154, %dma_wait3A_159, %dma_wait3A_160] : memref<4096x200x128xf32, #tpu.memory_space<hbm>> -> memref<1x200x128xf32, #tpu.memory_space<hbm>>
        %dma_wait3A_162 = tpu.memref_squeeze %dma_wait3A_161 : memref<1x200x128xf32, #tpu.memory_space<hbm>> -> memref<200x128xf32, #tpu.memory_space<hbm>>
        tpu.wait_dma2 semaphore(%arg17 : memref<!tpu.dma_semaphore, #tpu.memory_space<semaphore_mem>>) src(%arg10 : memref<200x128xf32, #tpu.memory_space<vmem>>) dst(%dma_wait3A_162 : memref<200x128xf32, #tpu.memory_space<hbm>>)
        %add3A_163 = arith.constant 3 : i32
        %add3A_164 = arith.addi %mul3A_91, %add3A_163 : i32
        %dma_start3A_165 = arith.constant 0 : i32
        %dma_start3A_166 = tpu.memref_slice %arg8[%add3A_164, %dma_start3A_165] : memref<128x200xi32, #tpu.memory_space<vmem>> -> memref<1x200xi32, #tpu.memory_space<vmem>>
        %dma_start3A_167 = tpu.memref_squeeze %dma_start3A_166 : memref<1x200xi32, #tpu.memory_space<vmem>> -> memref<200xi32, #tpu.memory_space<vmem>>
        %dma_start3A_168 = arith.constant 0 : i32
        %dma_start3A_169 = arith.constant 0 : i32
        %dma_start3A_170 = tpu.memref_slice %arg3[%dma_start3A_168, %dma_start3A_169] : memref<100000x128xf32, #tpu.memory_space<hbm>> -> memref<100000x128xf32, #tpu.memory_space<hbm>>
        tpu.enqueue_indirect_dma source(%dma_start3A_170 : memref<100000x128xf32, #tpu.memory_space<hbm>>) target(%arg10 : memref<200x128xf32, #tpu.memory_space<vmem>>) offsets(%dma_start3A_167 : memref<200xi32, #tpu.memory_space<vmem>>) semaphore(%arg15 : memref<!tpu.dma_semaphore, #tpu.memory_space<semaphore_mem>>)
      } else {
      }
    }
    %scan3A_67 = arith.constant 64 : i32
    %add3A_68 = arith.constant 126 : i32
    %add3A_69 = arith.addi %mul3A_2, %add3A_68 : i32
    %dma_wait3A = arith.constant 0 : i32
    %dma_wait3A_70 = arith.constant 0 : i32
    %dma_wait3A_71 = tpu.memref_slice %arg7[%add3A_69, %dma_wait3A, %dma_wait3A_70] : memref<4096x200x128xf32, #tpu.memory_space<hbm>> -> memref<1x200x128xf32, #tpu.memory_space<hbm>>
    %dma_wait3A_72 = tpu.memref_squeeze %dma_wait3A_71 : memref<1x200x128xf32, #tpu.memory_space<hbm>> -> memref<200x128xf32, #tpu.memory_space<hbm>>
    %dma_wait3A_73 = arith.constant 0 : i32
    %dma_wait3A_74 = arith.constant 0 : i32
    %dma_wait3A_75 = tpu.memref_slice %arg7[%add3A_69, %dma_wait3A_73, %dma_wait3A_74] : memref<4096x200x128xf32, #tpu.memory_space<hbm>> -> memref<1x200x128xf32, #tpu.memory_space<hbm>>
    %dma_wait3A_76 = tpu.memref_squeeze %dma_wait3A_75 : memref<1x200x128xf32, #tpu.memory_space<hbm>> -> memref<200x128xf32, #tpu.memory_space<hbm>>
    tpu.wait_dma2 semaphore(%arg16 : memref<!tpu.dma_semaphore, #tpu.memory_space<semaphore_mem>>) src(%arg9 : memref<200x128xf32, #tpu.memory_space<vmem>>) dst(%dma_wait3A_76 : memref<200x128xf32, #tpu.memory_space<hbm>>)
    %add3A_77 = arith.constant 126 : i32
    %add3A_78 = arith.addi %mul3A_2, %add3A_77 : i32
    %add3A_79 = arith.constant 1 : i32
    %add3A_80 = arith.addi %add3A_78, %add3A_79 : i32
    %dma_wait3A_81 = arith.constant 0 : i32
    %dma_wait3A_82 = arith.constant 0 : i32
    %dma_wait3A_83 = tpu.memref_slice %arg7[%add3A_80, %dma_wait3A_81, %dma_wait3A_82] : memref<4096x200x128xf32, #tpu.memory_space<hbm>> -> memref<1x200x128xf32, #tpu.memory_space<hbm>>
    %dma_wait3A_84 = tpu.memref_squeeze %dma_wait3A_83 : memref<1x200x128xf32, #tpu.memory_space<hbm>> -> memref<200x128xf32, #tpu.memory_space<hbm>>
    %dma_wait3A_85 = arith.constant 0 : i32
    %dma_wait3A_86 = arith.constant 0 : i32
    %dma_wait3A_87 = tpu.memref_slice %arg7[%add3A_80, %dma_wait3A_85, %dma_wait3A_86] : memref<4096x200x128xf32, #tpu.memory_space<hbm>> -> memref<1x200x128xf32, #tpu.memory_space<hbm>>
    %dma_wait3A_88 = tpu.memref_squeeze %dma_wait3A_87 : memref<1x200x128xf32, #tpu.memory_space<hbm>> -> memref<200x128xf32, #tpu.memory_space<hbm>>
    tpu.wait_dma2 semaphore(%arg17 : memref<!tpu.dma_semaphore, #tpu.memory_space<semaphore_mem>>) src(%arg10 : memref<200x128xf32, #tpu.memory_space<vmem>>) dst(%dma_wait3A_88 : memref<200x128xf32, #tpu.memory_space<hbm>>)
    return
  }
}

</mosaic_0001>

<sc_bundles>
// kernel: kernel.3.cloned.1.call-start
scs
__scs_entry_jumppad:
0x0: {  	(pc) =	sbr.rel $0x88, $3  }
0x1: {  	(tag) =	ssettag $0x0;
	lr =	simm.s32 $0x1  }
0x2: {  	[smem:$0x3F9B] =	sst lr;
	_ =	strace $0xD0000000  }
0x3: {  	_ = 	snop  }
0x4: {  	_ = 	snop  }
0x5: {  	_ = 	snop  }
0x6: {  	_ = 	snop  }
0x7: {  	_ = 	snop  }
__scs_overlays_trampoline_lowered:
0x8: {  	[smem:$0x3FAA] =	sst s0  }
0x9: {  	[smem:$0x3FAB] =	sst s1  }
0xa: {  	[smem:$0x3FAC] =	sst s2  }
0xb: {  	[smem:$0x3FAD] =	sst s3  }
0xc: {  	[smem:$0x3FAE] =	sst s4  }
0xd: {  	[smem:$0x3FAF] =	sst s5  }
0xe: {  	[smem:$0x3FB0] =	sst s6  }
0xf: {  	[smem:$0x3FB1] =	sst s7  }
0x10: {  	[smem:$0x3FB2] =	sst s8  }
0x11: {  	[smem:$0x3FB3] =	sst s9;
	s0 =	simm.s32 @!p0 $0x0  }
0x12: {  	s1 =	sld [smem:$0x3F99];
	s0 =	simm.s32 @p0 $0x1  }
0x13: {  	[smem:$0x3FB4] =	sst s0;
	s0 =	simm.s32 @!p1 $0x0  }
0x14: {  	s2 =	sld [smem:$0x3F98];
	s0 =	simm.s32 @p1 $0x1  }
0x15: {  	[smem:$0x3FB5] =	sst s0;
	s0 =	simm.s32 @!p2 $0x0  }
0x16: {  	s3 =	sld [smem:$0x3FDB];
	s0 =	simm.s32 @p2 $0x1  }
0x17: {  	s4 =	simm.s32 $0x1BF5;
	[smem:$0x3FB7] =	sst s0  }
0x18: {  	s0 =	sld [smem:$0x3F9A];
	_ =	swait.ge [sflag:s4], $0x0  }
0x19: {  	s7 =	sld [smem:$0x3F9B]  }
0x1a: {  	s8 =	sadd.s32 $0xFFFFE003, lr  }
0x1b: {  	s9 =	sadd.s32 $0xFFFFFEF7, lr;
	s5 =	simm.s32 $0xFFFFFFFF;
	p2 =	slt.u32 s8, $0xFFFFF086  }
0x1c: {  	p1 =	slt.u32 s9, $0xF7A;
	s5 =	simm.s32 @!p2 $0x0  }
0x1d: {  	s5 =	simm.s32 @p1 $0x1;
	p0 =	seq.s32 s7, s2  }
0x1e: {  	s7 =	smul.u32 @!p0 $0xF7A, s2;
	p2 =	seq.s32 @!p0 s5, $0x0  }
0x1f: {  	s9 =	smul.u32 $0xF7A, s1;
	s8 =	simm.s32 @!p0 $0x1BF5;
	p2 =	por !p2, p0  }
0x20: {  	[sflag:s8] =	ssyncset.s32 @!p0 $0xFFFFF086;
	s6 =	sadd.s32 @!p0 s3, s7;
	s7 =	simm.s32 @!p0 $0x108  }
0x21: {  	s3 =	sadd.s32 s3, s9;
	s6 =	sadd.s32 @!p0 $0x88, s6;
	s7 =	simm.s32 @p2 $0x1082  }
0x22: {  	[simem:s7], [sflag:s8] =	dma.local @!p0 [hbm:s6], $0xF7A  }
0x23: {  	s9 =	sor.u32 $0xD0000000, s2;
	s6 =	simm.s32 $0x108;
	_ =	swait.ge @!p0 [sflag:s8], $0x0  }
0x24: {  	s3 =	sadd.s32 $0x88, s3;
	s6 =	simm.s32 @!p1 $0x1082;
	[sflag:s4] =	ssyncset.s32 $0xFFFFF086  }
0x25: {  	[simem:s6], [sflag:s4] =	dma.local [hbm:s3], $0xF7A  }
0x26: {  	[smem:$0x3F9B] =	sst s1;
	(tag) =	ssettag s2;
	_ =	strace s9  }
0x27: {  	s1 =	sld [smem:$0x3FAB]  }
0x28: {  	s2 =	sld [smem:$0x3FAC]  }
0x29: {  	s4 =	sld [smem:$0x3FAE]  }
0x2a: {  	p0 =	seq.s32 s5, $0x0;
	s5 =	sld [smem:$0x3FAF]  }
0x2b: {  	s6 =	sld [smem:$0x3FB0]  }
0x2c: {  	s7 =	sld [smem:$0x3FB1]  }
0x2d: {  	s3 =	simm.s32 $0x108;
	s8 =	sld [smem:$0x3FB2]  }
0x2e: {  	s3 =	simm.s32 @!p0 $0x1082;
	s9 =	sld [smem:$0x3FB3]  }
0x2f: {  	lr =	sadd.s32 s0, s3;
	s0 =	sld [smem:$0x3FAA]  }
0x30: {  	s3 =	sld [smem:$0x3FAD]  }
0x31: {  	[smem:$0x3FB6] =	sst s10  }
0x32: {  	s10 =	sld [smem:$0x3FB4];
	_ =	sdelay $0x3  }
0x33: {  	p0 =	seq.s32 s10, $0x1;
	s10 =	sld [smem:$0x3FB6];
	_ =	sdelay $0x3  }
0x34: {  	[smem:$0x3FB6] =	sst s10  }
0x35: {  	s10 =	sld [smem:$0x3FB5];
	_ =	sdelay $0x3  }
0x36: {  	p1 =	seq.s32 s10, $0x1;
	s10 =	sld [smem:$0x3FB6];
	_ =	sdelay $0x3  }
0x37: {  	[smem:$0x3FB6] =	sst s10  }
0x38: {  	s10 =	sld [smem:$0x3FB7]  }
0x39: {  	_ = 	snop;
	(pc) =	sbr.ind lr, $3  }
0x3a: {  	_ = 	snop  }
0x3b: {  	_ = 	snop  }
0x3c: {  	p2 =	seq.s32 s10, $0x1;
	s10 =	sld [smem:$0x3FB6]  }
0x3d: {  	_ =	shalt  }
0x3e: {  	_ =	shalt  }
0x3f: {  	_ =	shalt  }
0x40: {  	_ =	shalt  }
0x41: {  	_ =	shalt  }
0x42: {  	_ =	shalt  }
0x43: {  	_ =	shalt  }
0x44: {  	_ =	shalt  }
0x45: {  	_ =	shalt  }
0x46: {  	_ =	shalt  }
0x47: {  	_ =	shalt  }
0x48: {  	_ =	shalt  }
0x49: {  	_ =	shalt  }
0x4a: {  	_ =	shalt  }
0x4b: {  	_ =	shalt  }
0x4c: {  	_ =	shalt  }
0x4d: {  	_ =	shalt  }
0x4e: {  	_ =	shalt  }
0x4f: {  	_ =	shalt  }
0x50: {  	_ =	shalt  }
0x51: {  	_ =	shalt  }
0x52: {  	_ =	shalt  }
0x53: {  	_ =	shalt  }
0x54: {  	_ =	shalt  }
0x55: {  	_ =	shalt  }
0x56: {  	_ =	shalt  }
0x57: {  	_ =	shalt  }
0x58: {  	_ =	shalt  }
0x59: {  	_ =	shalt  }
0x5a: {  	_ =	shalt  }
0x5b: {  	_ =	shalt  }
0x5c: {  	_ =	shalt  }
0x5d: {  	_ =	shalt  }
0x5e: {  	_ =	shalt  }
0x5f: {  	_ =	shalt  }
0x60: {  	_ =	shalt  }
0x61: {  	_ =	shalt  }
0x62: {  	_ =	shalt  }
0x63: {  	_ =	shalt  }
0x64: {  	_ =	shalt  }
0x65: {  	_ =	shalt  }
0x66: {  	_ =	shalt  }
0x67: {  	_ =	shalt  }
0x68: {  	_ =	shalt  }
0x69: {  	_ =	shalt  }
0x6a: {  	_ =	shalt  }
0x6b: {  	_ =	shalt  }
0x6c: {  	_ =	shalt  }
0x6d: {  	_ =	shalt  }
0x6e: {  	_ =	shalt  }
0x6f: {  	_ =	shalt  }
0x70: {  	_ =	shalt  }
0x71: {  	_ =	shalt  }
0x72: {  	_ =	shalt  }
0x73: {  	_ =	shalt  }
0x74: {  	_ =	shalt  }
0x75: {  	_ =	shalt  }
0x76: {  	_ =	shalt  }
0x77: {  	_ =	shalt  }
0x78: {  	_ =	shalt  }
0x79: {  	_ =	shalt  }
0x7a: {  	_ =	shalt  }
0x7b: {  	_ =	shalt  }
0x7c: {  	_ =	shalt  }
0x7d: {  	_ =	shalt  }
0x7e: {  	_ =	shalt  }
0x7f: {  	_ =	shalt  }
0x80: {  	_ =	shalt  }
0x81: {  	_ =	shalt  }
0x82: {  	_ =	shalt  }
0x83: {  	_ =	shalt  }
0x84: {  	_ =	shalt  }
0x85: {  	_ =	shalt  }
0x86: {  	_ =	shalt  }
0x87: {  	_ =	shalt  }
.Lfunc_end0:
.L_simem_size_0:
called_computation_lowered:
.L_overlay_start_0:
0x88: {  	s2 =	sld [smem:$0x3FD9]  }
0x89: {  	s3 =	sld [smem:$0x3FFE];
	_ =	sdelay $0x1  }
0x8a: {  	s1 =	srdreg.scid  }
0x8b: {  	s0 =	sand.u32 $0x1, s1  }
0x8c: {  	s17 =	sshll.u32 s0, $0xA;
	s2 =	sadd.s32 s3, s2  }
0x8d: {  	s2 =	sadd.s32 s2, s17  }
0x8e: {  	[smem:$0x3FC2] =	sst s2  }
0x8f: {  	_ = 	snop  }
0x90: {  	s2 =	sld [smem:$0x3FC8]  }
0x91: {  	s18 =	sld [smem:$0x3FC5]  }
0x92: {  	s4 =	sld [smem:$0x3FC4]  }
0x93: {  	s5 =	sld [smem:$0x3FD0];
	(tm) =	ssettm $0x1  }
0x94: {  	s6 =	sld [smem:$0x3FFB];
	_ =	sdelay $0x3  }
0x95: {  	_ =	strace s6  }
0x96: {  	s6 =	sld [smem:$0x3FFC];
	_ =	sdelay $0x3  }
0x97: {  	_ =	strace s6  }
0x98: {  	s6 =	sld [smem:$0x3FFD];
	_ =	sdelay $0x3  }
0x99: {  	_ =	strace s6  }
0x9a: {  	_ =	strace $0x8FFFFFFF  }
0x9b: {  	s19 =	sld [smem:$0x3FDB];
	_ =	sdelay $0x1  }
0x9c: {  	s7 =	simm.s32 $_scs_section_size  }
0x9d: {  	s8 =	simm.s32 $_size__tile_overlayer_lowered;
	s9 =	simm.s32 $_tile_overlayer_lowered  }
0x9e: {  	s22 =	simm.s32 $0x1BFF;
	s21 =	sshll.u32 s9, $0x1;
	s6 =	sadd.s32 s7, s19  }
0x9f: {  	s10 =	simm.s32 $0x0;
	s20 =	sshll.u32 s8, $0x1;
	s8 =	sadd.s32 s21, s6  }
0xa0: {  	[timem:s10], [sflag:s22] =	dma.local [hbm:s8], s20  }
0xa1: {  	_ =	swait.ge [sflag:s22], s20  }
0xa2: {  	s7 =	ssub.s32 $0x0, s20;
	[sflag:s22] =	ssyncset.done $0x0  }
0xa3: {  	[sflag:s22] =	ssyncadd.s32 s7;
	_ =	sdelay $0x1  }
0xa4: {  	s23 =	simm.s32 $0x1B8B  }
0xa5: {  	_ =	swait.ge [sflag:s23], $0x1  }
0xa6: {  	[sflag:s23] =	ssyncset.done $0x0  }
0xa7: {  	s25 =	simm.s32 $0x1B8E;
	s24 =	sld [smem:$0x3FFE];
	[sflag:s23] =	ssyncadd.s32 $0xFFFFFFFF  }
0xa8: {  	s26 =	simm.s32 $execute0_lowered;
	[smem:$0x3FD2] =	sst s25  }
0xa9: {  	s8 =	sshll.u32 s26, $0x1;
	_ =	strace $0x80000046;
	[dreg:$0x1] =	wrdreg $0xFFFFFFFF  }
0xaa: {  	s28 =	simm.s32 $_size_execute0_lowered;
	s6 =	sadd.s32 s6, s8;
	[dreg:$0x0] =	wrdreg $0x0  }
0xab: {  	s8 =	sshll.u32 s28, $0x1;
	[dreg:$0x2] =	wrdreg s6  }
0xac: {  	[dreg:$0x3] =	wrdreg s8  }
0xad: {  	[dreg:$0x4] =	wrdreg $0xC0  }
0xae: {  	_ =	task [dreg:s10], $0x5FFFF  }
0xaf: {  	[dreg:$0x1] =	wrdreg $0xFFFFFFFF  }
0xb0: {  	[dreg:$0x0] =	wrdreg $0x60  }
0xb1: {  	[dreg:$0x2] =	wrdreg s24  }
0xb2: {  	[dreg:$0x3] =	wrdreg s2  }
0xb3: {  	[dreg:$0x4] =	wrdreg s18  }
0xb4: {  	[dreg:$0x5] =	wrdreg s4  }
0xb5: {  	[dreg:$0x6] =	wrdreg s5  }
0xb6: {  	[dreg:$0x7] =	wrdreg $0x9  }
0xb7: {  	_ =	task.clear_ibuf [dreg:s10], $0x8FFFF;
	_ =	strace $0x90000046  }
0xb8: {  	s29 =	simm.s32 $0x9;
	_ =	strace $0x80000048  }
0xb9: {  	_ =	swait.ge [sflag:s29], $0x1  }
0xba: {  	[sflag:s29] =	ssyncadd.s32 $0xFFFFFFFF  }
0xbb: {  	_ =	strace $0x90000048  }
0xbc: {  	_ =	sfence  }
0xbd: {  	s30 =	sld [smem:$0x0];
	_ =	sdelay $0x2  }
0xbe: {  	s31 =	sshll.u32 s1, $0xD;
	s1 =	sshrl.u32 s1, $0x2  }
0xbf: {  	s3 =	sand.u32 $0x4000, s31;
	s1 =	sadd.s32 s1, s30  }
0xc0: {  	s0 =	sor.u32 s3, s0;
	s1 =	sshll.u32 s1, $0x11  }
0xc1: {  	s0 =	sor.u32 s1, s0  }
0xc2: {  	s0 =	sadd.s32 $0x8F2B, s0  }
0xc3: {  	[sflag:s0] =	ssyncadd.remote.s32 $0x1  }
0xc4: {  	_ =	sfence.sel $0xFFFF  }
0xc5: {  	[dreg:$0x0] =	wrdreg $0xFFFFFFFF;
	(pc) =	sbr.abs _section_cstart, $3  }
0xc6: {  	[dreg:$0x1] =	wrdreg $0xFFFFFFFF  }
0xc7: {  	_ =	task.clear_ibuf [dreg:s10], $0x2FFFF;
	_ =	strace $0x9FFFFFFF  }
0xc8: {  	(tm) =	ssettm $0x7FFFFFFF  }
0xc9: {  	_ =	shalt  }
tec
execute0_lowered:
.L_overlay_start_1:
0x0: {  	(tag) =	ssettag $0x1  }
0x1: {  	s8 =	rddreg [dreg:$0x0];
	v0 =	vimm.s32 $0xEFCDAB89;
	v1 =	vimm.s32 $0x67452301;
	v2 =	vimm.s32 $0xDCFE98BA  }
0x2: {  	s0 =	rddreg [dreg:$0x1];
	v3 =	vimm.s32 $0x54761032;
	v4 =	vimm.s32 $0xBA98FEDC;
	v5 =	vimm.s32 $0x32107654  }
0x3: {  	s1 =	rddreg [dreg:$0x2];
	s4 =	srdreg.scid;
	v6 =	vimm.s32 $0xFEDCBA98;
	v7 =	vimm.s32 $0x76543210;
	v0 =	vunpack.c.l.s4.s8 v0  }
0x4: {  	s3 =	rddreg [dreg:$0x3];
	s2 =	stileid.u32;
	v1 =	vunpack.c.l.s4.s8 v1;
	v2 =	vunpack.c.l.s4.s8 v2;
	v3 =	vunpack.c.l.s4.s8 v3  }
0x5: {  	s5 =	rddreg [dreg:$0x4];
	s12 =	simm.s32 $0x12C00;
	s13 =	simm.s32 $0x19000;
	v4 =	vunpack.c.l.s4.s8 v4;
	v5 =	vunpack.c.l.s4.s8 v5;
	v6 =	vunpack.c.l.s4.s8 v6  }
0x6: {  	s14 =	simm.s32 $0x19080;
	s15 =	simm.s32 $0xC8;
	s16 =	simm.s32 $0x6400;
	v0 =	vunpack.c.0.s8.s32 v0;
	v1 =	vunpack.c.0.s8.s32 v1;
	v2 =	vunpack.c.0.s8.s32 v2  }
0x7: {  	s17 =	simm.s32 $0xC800;
	s18 =	simm.s32 $0x1;
	s9 =	sand.u32 $0x1, s4;
	v3 =	vunpack.c.0.s8.s32 v3;
	v4 =	vunpack.c.0.s8.s32 v4;
	v5 =	vunpack.c.0.s8.s32 v5  }
0x8: {  	s19 =	simm.s32 $0x2;
	s6 =	sshll.u32 s2, $0x8;
	v7 =	vunpack.c.l.s4.s8 v7;
	s7 =	sshll.u32 s9, $0x7;
	v0 =	vcombine.low v1, v0  }
0x9: {  	s4 =	rddreg [dreg:$0x5];
	s6 =	sor.u32 s7, s6;
	s7 =	simm.s32 $0x0;
	v1 =	vunpack.c.0.s8.s32 v6;
	v2 =	vcombine.low v3, v2;
	v3 =	vcombine.low v5, v4  }
.Ltmp0:
0xa: {  	s20 =	simm.s32 $0x3;
	[smem:$0x7FF] =	sst s7;
	v4 =	vunpack.c.0.s8.s32 v7;
	v0 =	vand.u32 $0xF, v0;
	(pc) =	sbr.rel .LBB2_1-.Ltmp0, $4  }
0xb: {  	s9 =	ssub.s32 $0x2, s9;
	s10 =	smul.u32 $0x19, s6;
	_ =	strace $0x80000047;
	v5 =	vand.u32 $0xF, v1;
	v3 =	vand.u32 $0xF, v3;
	[tilespmem:$0x1FFC0] =	vst v0  }
0xc: {  	s21 =	simm.s32 $0x4;
	s22 =	simm.s32 $0x0;
	s11 =	sshrl.u32 s9, $0x1;
	v1 =	vand.u32 $0xF, v2;
	v12 =	vcombine.low v5, v4;
	[tilespmem:$0x1FFD0] =	vst v3  }
0xd: {  	s11 =	ssub.s32 s9, s11;
	s10 =	sadd.s32 s10, s8;
	s8 =	sadd.s32 $0x19400, s8;
	[tilespmem:$0x1FFE0] =	vst v1  }
0xe: {  	s9 =	sadd.s32 $0x400, s10;
	s10 =	smax.u32 s11, $0x1;
	s11 =	simm.s32 $0x5;
	[tilespmem:$0x1FFF0] =	vst v12  }
.LBB2_8:
0xf: {  	s22 =	sadd.s32 $0x1, s22  }
0x10: {  	p0 =	sne.s32 s22, s10  }
.Ltmp1:
0x11: {  	_ = 	snop;
	(pc) =	sbr.rel @!p0 .LBB2_9-.Ltmp1, $4  }
0x12: {  	_ = 	snop  }
0x13: {  	_ =	swait.ge [sflag:s21], $0x6400  }
0x14: {  	[sflag:s21] =	ssyncset.done $0x0  }
0x15: {  	v1 =	vmov v61;
	v3 =	vmov v12;
	v12 =	vmov v13;
	[sflag:s21] =	ssyncadd.s32 $0xFFFF9C00  }
.LBB2_1:
0x16: {  	[tilespmem:s7], [sflag:$0x5] =	stream.linear.gather [hbm4b:s9+s7], $0x6400, $0x38;
	[tilespmem:$0x19100] =	vst v63  }
0x17: {  	_ =	swait.ge [sflag:s11], $0x6400  }
0x18: {  	[sflag:s11] =	ssyncset.done $0x0  }
0x19: {  	[sflag:s11] =	ssyncadd.s32 $0xFFFF9C00  }
0x1a: {  	[tilespmem:s12], [sflag:$0x5] =	stream.linear.gather [hbm4b:s8+s7], $0x6400, $0x38;
	[tilespmem:$0x19100] =	vst v63  }
0x1b: {  	_ =	swait.ge [sflag:s11], $0x6400  }
0x1c: {  	[sflag:s11] =	ssyncset.done $0x0  }
0x1d: {  	[sflag:s11] =	ssyncadd.s32 $0xFFFF9C00  }
0x1e: {  	[tilespmem:s13], [sflag:$0x5] =	stream.linear.gather [hbm4b:s1+s7], $0x80, $0x38;
	[tilespmem:$0x19100] =	vst v63  }
0x1f: {  	_ =	swait.ge [sflag:s11], $0x80  }
0x20: {  	[sflag:s11] =	ssyncset.done $0x0  }
0x21: {  	[sflag:s11] =	ssyncadd.s32 $0xFFFFFF80  }
0x22: {  	[tilespmem:s14], [sflag:$0x5] =	stream.linear.gather [hbm4b:s3+s7], $0x80, $0x38;
	[tilespmem:$0x19100] =	vst v63  }
0x23: {  	_ =	swait.ge [sflag:s11], $0x80  }
0x24: {  	[sflag:s11] =	ssyncset.done $0x0  }
0x25: {  	[sflag:s11] =	ssyncadd.s32 $0xFFFFFF80  }
0x26: {  	v0 =	vld [tilespmem:$0x19000];
	_ =	sdelay $0x4  }
0x27: {  	[tilespmem:$0x1FEC0] =	vst v0;
	v0 =	vld [tilespmem:$0x19020];
	_ =	sdelay $0x4  }
0x28: {  	[tilespmem:$0x1FED0] =	vst v0;
	v0 =	vld [tilespmem:$0x19030];
	_ =	sdelay $0x4  }
0x29: {  	[tilespmem:$0x1FEE0] =	vst v0;
	v0 =	vld [tilespmem:$0x19060];
	_ =	sdelay $0x4  }
0x2a: {  	[tilespmem:$0x1FEF0] =	vst v0;
	v0 =	vld [tilespmem:$0x19090];
	_ =	sdelay $0x4  }
0x2b: {  	[tilespmem:$0x1FF00] =	vst v0;
	v0 =	vld [tilespmem:$0x190A0];
	_ =	sdelay $0x4  }
0x2c: {  	[tilespmem:$0x1FF10] =	vst v0;
	v0 =	vld [tilespmem:$0x190B0];
	_ =	sdelay $0x4  }
0x2d: {  	[tilespmem:$0x1FF20] =	vst v0;
	v0 =	vld [tilespmem:$0x190C0];
	_ =	sdelay $0x4  }
0x2e: {  	[tilespmem:$0x1FF30] =	vst v0;
	v0 =	vld [tilespmem:$0x190D0];
	_ =	sdelay $0x1  }
0x2f: {  	v19 =	vld [tilespmem:$0x19010]  }
0x30: {  	v14 =	vld [tilespmem:$0x19040]  }
0x31: {  	v17 =	vld [tilespmem:$0x19050]  }
0x32: {  	[tilespmem:$0x1FF40] =	vst v0;
	v0 =	vld [tilespmem:$0x190E0]  }
0x33: {  	v15 =	vld [tilespmem:$0x19080]  }
0x34: {  	[tilespmem:$0x1FF70] =	vst v19  }
0x35: {  	v18 =	vld [tilespmem:$0x19070];
	[tilespmem:$0x1FF80] =	vst v14  }
0x36: {  	[tilespmem:$0x1FF90] =	vst v17  }
0x37: {  	[tilespmem:$0x1FF50] =	vst v0;
	v0 =	vld [tilespmem:$0x190F0]  }
0x38: {  	[tilespmem:$0x1FFA0] =	vst v15  }
0x39: {  	[tilespmem:s16], [sflag:$0x1] =	stream.indirect.gather [hbm4b:s0+s15], $0x80, s7, s15, $0xb8;
	[tilespmem:$0x19100] =	vst v63  }
0x3a: {  	[tilespmem:$0x1FFB0] =	vst v18  }
0x3b: {  	[tilespmem:s17], [sflag:$0x2] =	stream.indirect.gather [hbm4b:s0+s15], $0x80, s15, s15, $0xb8;
	[tilespmem:$0x19100] =	vst v63  }
0x3c: {  	s23 =	simm.s32 $0x0;
	[tilespmem:$0x1FF60] =	vst v0  }
.LBB2_2:
0x3d: {  	_ =	swait.ge [sflag:s18], $0x6400  }
0x3e: {  	[sflag:s18] =	ssyncset.done $0x0  }
0x3f: {  	s25 =	simm.s32 $0x6540;
	[sflag:s18] =	ssyncadd.s32 $0xFFFF9C00  }
0x40: {  	s24 =	simm.s32 $0x12D40;
	v4 =	vld [tilespmem:s25+$0xC0]  }
0x41: {  	v5 =	vld [tilespmem:s24+$0xC0]  }
0x42: {  	v6 =	vld [tilespmem:s25+$0xD0]  }
0x43: {  	v7 =	vld [tilespmem:s24+$0xD0]  }
0x44: {  	v8 =	vld [tilespmem:s25+$0xE0]  }
0x45: {  	v9 =	vld [tilespmem:s24+$0xE0]  }
0x46: {  	v10 =	vld [tilespmem:s25+$0xF0]  }
0x47: {  	v11 =	vld [tilespmem:s24+$0xF0]  }
0x48: {  	v21 =	vld [tilespmem:s25+$0x100]  }
0x49: {  	v22 =	vld [tilespmem:s24+$0x100]  }
0x4a: {  	v23 =	vld [tilespmem:s25+$0x110]  }
0x4b: {  	v26 =	vld [tilespmem:s24+$0x110]  }
0x4c: {  	v27 =	vld [tilespmem:s25+$0x120]  }
0x4d: {  	v28 =	vld [tilespmem:s24+$0x120]  }
0x4e: {  	v29 =	vld [tilespmem:s25+$0x130]  }
0x4f: {  	v30 =	vld [tilespmem:s24+$0x130]  }
0x50: {  	v47 =	vld [tilespmem:s24+$0xFFFFFEC0]  }
0x51: {  	v31 =	vld [tilespmem:s25+$0xFFFFFED0]  }
0x52: {  	v32 =	vld [tilespmem:s24+$0xFFFFFED0];
	v20 =	vadd.f32 v5, v4  }
0x53: {  	v33 =	vld [tilespmem:s25+$0xFFFFFEE0];
	v16 =	vadd.f32 v7, v6  }
0x54: {  	v34 =	vld [tilespmem:s24+$0xFFFFFEE0];
	v0 =	vadd.f32 v11, v10;
	[tilespmem:$0x1FE60] =	vst v20  }
0x55: {  	v2 =	vadd.f32 v22, v21;
	[tilespmem:$0x1FE70] =	vst v16  }
0x56: {  	v4 =	vadd.f32 v26, v23;
	v5 =	vld [tilespmem:s25+$0xFFFFFEF0];
	[tilespmem:$0x1FE80] =	vst v0  }
0x57: {  	v62 =	vadd.f32 v9, v8;
	v13 =	vadd.f32 v28, v27;
	v6 =	vld [tilespmem:s24+$0xFFFFFEF0];
	[tilespmem:$0x1FE90] =	vst v2  }
0x58: {  	v26 =	vadd.f32 v30, v29;
	v9 =	vadd.f32 v16, v20;
	v30 =	vmul.f32 v16, v16;
	v16 =	vld [tilespmem:$0x1FFC0];
	[tilespmem:$0x1FEA0] =	vst v4  }
0x59: {  	v7 =	vld [tilespmem:s25+$0xFFFFFF00];
	[tilespmem:$0x1FEB0] =	vst v13  }
0x5a: {  	v8 =	vld [tilespmem:s24+$0xFFFFFF00]  }
0x5b: {  	v11 =	vld [tilespmem:s25+$0xFFFFFF10]  }
0x5c: {  	v35 =	vld [tilespmem:s24+$0xFFFFFF10]  }
0x5d: {  	v39 =	vld [tilespmem:s25+$0xFFFFFF20]  }
0x5e: {  	v41 =	vld [tilespmem:s24+$0xFFFFFF20]  }
0x5f: {  	v42 =	vld [tilespmem:s25+$0xFFFFFF30]  }
0x60: {  	v27 =	vadd.f32 v32, v31;
	v10 =	vadd.f32 v0, v62;
	v28 =	vmul.f32 v20, v20;
	v48 =	vld [tilespmem:s24+$0xFFFFFF30]  }
0x61: {  	v29 =	vadd.f32 v4, v2;
	v36 =	vmul.f32 v62, v62;
	v38 =	vmul.f32 v0, v0;
	v49 =	vld [tilespmem:s25+$0xFFFFFF40]  }
0x62: {  	v37 =	vadd.f32 v26, v13;
	v40 =	vmul.f32 v2, v2;
	v31 =	vmul.f32 v4, v4;
	v50 =	vld [tilespmem:s24+$0xFFFFFF40]  }
0x63: {  	v46 =	vmul.f32 v13, v13;
	v9 =	vadd.f32 v10, v9;
	v10 =	vmul.f32 v26, v26;
	v43 =	vld [tilespmem:s25+$0xFFFFFF50]  }
0x64: {  	v28 =	vadd.f32 v30, v28;
	v36 =	vadd.f32 v38, v36;
	v52 =	vld [tilespmem:s25+$0xFFFFFF70]  }
0x65: {  	v31 =	vadd.f32 v31, v40;
	v10 =	vadd.f32 v10, v46;
	v44 =	vld [tilespmem:s24+$0xFFFFFF70]  }
0x66: {  	v29 =	vadd.f32 v37, v29;
	v30 =	vadd.f32 v34, v33;
	v45 =	vld [tilespmem:s25+$0xFFFFFF90]  }
0x67: {  	v28 =	vadd.f32 v36, v28;
	v2 =	vld [tilespmem:s24+$0xFFFFFFA0];
	v10 =	vadd.f32 v10, v31  }
0x68: {  	v9 =	vadd.f32 v29, v9;
	v54 =	vld [tilespmem:s24+$0xFFFFFFD0];
	v31 =	vadd.f32 v6, v5  }
0x69: {  	v57 =	vld [tilespmem:s24+$0xFFFFFFF0];
	v6 =	vmul.f32 v30, v30;
	v32 =	vadd.f32 v8, v7;
	v7 =	vadd.f32 v10, v28  }
0x6a: {  	v5 =	vld [tilespmem:s24+$0xFFFFFF50];
	v33 =	vadd.f32 v35, v11;
	v10 =	vperm.xlane v9, v16;
	v34 =	vadd.f32 v41, v39  }
0x6b: {  	v8 =	vld [tilespmem:s25+$0xFFFFFF60];
	v11 =	vmul.f32 v31, v31;
	v35 =	vadd.f32 v48, v42;
	v36 =	vadd.f32 v50, v49  }
0x6c: {  	v28 =	vld [tilespmem:s24+$0xFFFFFF60];
	v39 =	vadd.f32 v44, v52;
	v29 =	vmul.f32 v32, v32;
	v51 =	vperm.xlane v7, v16  }
0x6d: {  	v42 =	vld [tilespmem:s24+$0xFFFFFF80];
	v10 =	vadd.f32 v9, v10;
	v58 =	vadd.f32 v33, v32;
	v59 =	vmul.f32 v33, v33  }
0x6e: {  	v48 =	vld [tilespmem:s24+$0xFFFFFF90];
	v25 =	vadd.f32 v11, v6;
	v60 =	vmul.f32 v34, v34;
	v46 =	vmul.f32 v35, v35  }
0x6f: {  	v52 =	vld [tilespmem:s25+$0xFFFFFFD0];
	v37 =	vadd.f32 v5, v43;
	v6 =	vadd.f32 v7, v51  }
0x70: {  	v49 =	vld [tilespmem:s25+$0xFFFFFFB0];
	v11 =	vperm.xlane v10, v1;
	v29 =	vadd.f32 v59, v29;
	v0 =	vadd.f32 v46, v60  }
0x71: {  	v7 =	vld [tilespmem:s25+$0xFFFFFF80];
	v38 =	vadd.f32 v28, v8;
	v50 =	vadd.f32 v37, v36;
	v61 =	vperm.xlane v6, v1  }
0x72: {  	v53 =	vmul.f32 v36, v36;
	v11 =	vadd.f32 v10, v11;
	v56 =	vadd.f32 v0, v29;
	v29 =	vld [tilespmem:s24+$0xFFFFFFB0]  }
0x73: {  	v46 =	vld [tilespmem:s24+$0xFFFFFFC0];
	v28 =	vmul.f32 v37, v37;
	v41 =	vadd.f32 v48, v45;
	v5 =	vadd.f32 v6, v61  }
0x74: {  	v45 =	vadd.f32 v54, v52;
	v10 =	vadd.f32 v35, v34;
	v6 =	vld [tilespmem:s25+$0xFFFFFFA0];
	v63 =	vperm.xlane v11, v3  }
0x75: {  	v48 =	vld [tilespmem:s24+$0xFFFFFFE0];
	v44 =	vadd.f32 v28, v53;
	v51 =	vmul.f32 v38, v38;
	v8 =	vperm.xlane v5, v3  }
0x76: {  	v52 =	vld [tilespmem:s24+$0x10];
	v53 =	vmul.f32 v39, v39;
	v40 =	vadd.f32 v42, v7;
	v11 =	vadd.f32 v11, v63  }
0x77: {  	v55 =	vmul.f32 v41, v41;
	v43 =	vadd.f32 v29, v49;
	v29 =	vld [tilespmem:s25+$0x0];
	v5 =	vadd.f32 v5, v8  }
0x78: {  	v60 =	vadd.f32 v39, v38;
	v63 =	vmul.f32 v40, v40;
	v8 =	vld [tilespmem:s25+$0xFFFFFFC0];
	v59 =	vperm.xlane v11, v12  }
0x79: {  	v61 =	vadd.f32 v53, v51;
	v42 =	vadd.f32 v2, v6;
	v6 =	vld [tilespmem:s25+$0xFFFFFFF0];
	v7 =	vperm.xlane v5, v12  }
0x7a: {  	v49 =	vadd.f32 v55, v63;
	v55 =	vld [tilespmem:s25+$0x10];
	v11 =	vadd.f32 v59, v11  }
0x7b: {  	v10 =	vadd.f32 v10, v58;
	v5 =	vadd.f32 v7, v5;
	v7 =	vld [tilespmem:s25+$0xFFFFFFE0]  }
0x7c: {  	v58 =	vadd.f32 v61, v44;
	v28 =	vmul.f32 $7.812500000e-03, v11;
	v11 =	vadd.f32 v60, v50;
	v50 =	vld [tilespmem:s24+$0x0]  }
0x7d: {  	v2 =	vadd.f32 v41, v40;
	v44 =	vadd.f32 v46, v8  }
0x7e: {  	v8 =	vadd.f32 v43, v42;
	v5 =	vmul.f32 $7.812500000e-03, v5;
	v0 =	vmul.f32 v28, v28  }
0x7f: {  	v54 =	vld [tilespmem:s24+$0x20];
	v59 =	vmul.f32 v43, v43;
	v24 =	vadd.f32 v57, v6;
	v23 =	vadd.f32 v52, v55  }
0x80: {  	v53 =	vld [tilespmem:s25+$0x40];
	v5 =	vsub.f32 v5, v0;
	v0 =	vmul.f32 v42, v42;
	v46 =	vadd.f32 v48, v7  }
0x81: {  	v57 =	vld [tilespmem:s25+$0x30];
	v48 =	vadd.f32 v45, v44;
	v29 =	vadd.f32 v50, v29  }
0x82: {  	v7 =	vld [tilespmem:s25+$0x20];
	v50 =	vmul.f32 v24, v24;
	v60 =	vadd.f32 $9.999999740e-06, v5;
	v51 =	vadd.f32 v59, v0  }
0x83: {  	v52 =	vld [tilespmem:s24+$0x40];
	v5 =	vadd.f32 v8, v2;
	v8 =	vmul.f32 v44, v44;
	v2 =	vmul.f32 v45, v45  }
0x84: {  	v61 =	vmul.f32 v46, v46;
	v63 =	vadd.f32 v24, v46;
	v6 =	vadd.f32 v51, v49;
	v49 =	vld [tilespmem:s24+$0x30]  }
0x85: {  	v55 =	vmul.f32 v23, v23;
	v11 =	vadd.f32 v5, v11;
	v8 =	vadd.f32 v2, v8;
	v5 =	vld [tilespmem:s24+$0x50]  }
0x86: {  	v51 =	vadd.f32 v63, v48;
	v50 =	vadd.f32 v50, v61;
	v61 =	vld [tilespmem:s25+$0x50];
	v63 =	vmul.f32 v29, v29  }
0x87: {  	v58 =	vadd.f32 v6, v58;
	v2 =	vperm.xlane v11, v16;
	v48 =	vadd.f32 v54, v7;
	v7 =	vld [tilespmem:s24+$0x70]  }
0x88: {  	v55 =	vadd.f32 v55, v63;
	v63 =	vadd.f32 v52, v53;
	v52 =	vld [tilespmem:s25+$0x70]  }
0x89: {  	v11 =	vadd.f32 v11, v2;
	v22 =	vadd.f32 v49, v57;
	v57 =	vld [tilespmem:s25+$0x60]  }
0x8a: {  	v59 =	vmul.f32 v27, v27;
	v54 =	vadd.f32 v23, v29;
	v2 =	vperm.xlane v58, v16;
	v49 =	vld [tilespmem:s24+$0x60]  }
0x8b: {  	v9 =	vadd.f32 v50, v8;
	v8 =	vmul.f32 v48, v48;
	v53 =	vperm.xlane v11, v1  }
0x8c: {  	v58 =	vadd.f32 v58, v2;
	v21 =	vadd.f32 v5, v61;
	v4 =	vmul.f32 v22, v22  }
0x8d: {  	v0 =	vshrl.u32 v60, $0x1;
	v50 =	vadd.f32 v22, v48;
	v11 =	vadd.f32 v11, v53  }
0x8e: {  	v5 =	vperm.xlane v58, v1;
	v20 =	vadd.f32 v7, v52;
	v6 =	vadd.f32 v4, v8;
	v8 =	vld [tilespmem:s25+$0x80]  }
0x8f: {  	v2 =	vmul.f32 v63, v63;
	v61 =	vadd.f32 v50, v54;
	v54 =	vld [tilespmem:s24+$0x80];
	v50 =	vadd.f32 v49, v57  }
0x90: {  	v7 =	vld [tilespmem:s25+$0xA0];
	v4 =	vmul.f32 v21, v21;
	v57 =	vadd.f32 v21, v63;
	v5 =	vadd.f32 v58, v5  }
0x91: {  	v60 =	vmul.f32 $5.000000000e-01, v60;
	v49 =	vld [tilespmem:s25+$0x90];
	v53 =	vadd.f32 v61, v51;
	v6 =	vadd.f32 v6, v55  }
0x92: {  	v13 =	vmovc v1;
	v55 =	vld [tilespmem:s24+$0x90];
	v61 =	vperm.xlane v11, v3;
	v4 =	vadd.f32 v4, v2;
	v1 =	vmul.f32 v50, v50  }
0x93: {  	v58 =	vld [tilespmem:s24+$0xA0];
	v2 =	vadd.f32 v20, v50;
	v6 =	vadd.f32 v6, v9;
	v9 =	vperm.xlane v53, v16  }
0x94: {  	v11 =	vadd.f32 v11, v61;
	v61 =	vmul.f32 v20, v20;
	v52 =	vadd.f32 v54, v8;
	v8 =	vld [tilespmem:s25+$0xB0]  }
0x95: {  	v0 =	vsub.s32 $0x5F375A86, v0;
	v54 =	vld [tilespmem:s25+$0xFFFFFEC0];
	v9 =	vadd.f32 v53, v9;
	v51 =	vperm.xlane v6, v16  }
0x96: {  	v60 =	vmul.f32 v0, v60;
	v57 =	vadd.f32 v2, v57;
	v53 =	vld [tilespmem:s24+$0xB0];
	v1 =	vadd.f32 v61, v1  }
0x97: {  	v49 =	vadd.f32 v55, v49;
	v51 =	vadd.f32 v6, v51;
	v6 =	vperm.xlane v9, v13  }
0x98: {  	v7 =	vadd.f32 v58, v7;
	v55 =	vadd.f32 v31, v30;
	v58 =	vmul.f32 v52, v52  }
0x99: {  	v4 =	vadd.f32 v1, v4;
	v61 =	vmul.f32 v49, v49;
	v9 =	vadd.f32 v9, v6  }
0x9a: {  	v6 =	vadd.f32 v49, v52;
	v1 =	vperm.xlane v51, v13;
	v54 =	vadd.f32 v47, v54  }
0x9b: {  	v8 =	vadd.f32 v53, v8;
	v53 =	vadd.f32 v61, v58;
	v47 =	vperm.xlane v9, v3  }
0x9c: {  	v51 =	vadd.f32 v51, v1;
	v1 =	vadd.f32 v27, v54;
	v61 =	vmul.f32 v54, v54  }
0x9d: {  	v60 =	vmul.f32 v0, v60;
	v58 =	vadd.f32 v8, v7;
	v9 =	vadd.f32 v9, v47  }
0x9e: {  	v55 =	vadd.f32 v55, v1;
	v1 =	vmul.f32 v8, v8;
	v59 =	vadd.f32 v59, v61  }
0x9f: {  	v61 =	vsub.f32 $1.500000000e+00, v60;
	v2 =	vperm.xlane v51, v3;
	v60 =	vperm.xlane v11, v12  }
0xa0: {  	v6 =	vadd.f32 v58, v6;
	v58 =	vmul.f32 v7, v7;
	v10 =	vadd.f32 v10, v55  }
0xa1: {  	v25 =	vadd.f32 v25, v59;
	v51 =	vadd.f32 v51, v2  }
0xa2: {  	v47 =	vmul.f32 v0, v61;
	v11 =	vadd.f32 v60, v11;
	v58 =	vadd.f32 v1, v58  }
0xa3: {  	v6 =	vadd.f32 v6, v57;
	v1 =	vperm.xlane v5, v3;
	v25 =	vadd.f32 v56, v25  }
0xa4: {  	v61 =	vperm.xlane v10, v16;
	v11 =	vmul.f32 $7.812500000e-03, v11;
	v53 =	vadd.f32 v58, v53  }
0xa5: {  	v5 =	vadd.f32 v5, v1;
	v0 =	vperm.xlane v6, v16;
	v1 =	vperm.xlane v9, v12  }
0xa6: {  	v10 =	vadd.f32 v10, v61;
	v2 =	vperm.xlane v25, v16;
	v4 =	vadd.f32 v53, v4  }
0xa7: {  	v6 =	vadd.f32 v6, v0;
	v61 =	vperm.xlane v5, v12;
	v9 =	vadd.f32 v1, v9  }
0xa8: {  	v25 =	vadd.f32 v25, v2;
	v0 =	vperm.xlane v10, v13;
	v2 =	vperm.xlane v51, v12  }
0xa9: {  	v60 =	vperm.xlane v4, v16;
	v1 =	vperm.xlane v6, v13  }
0xaa: {  	v5 =	vadd.f32 v61, v5;
	v9 =	vmul.f32 $7.812500000e-03, v9;
	v10 =	vadd.f32 v10, v0  }
0xab: {  	v4 =	vadd.f32 v4, v60;
	v60 =	vperm.xlane v25, v13;
	v6 =	vadd.f32 v6, v1  }
0xac: {  	v51 =	vadd.f32 v2, v51;
	v5 =	vmul.f32 $7.812500000e-03, v5;
	v0 =	vperm.xlane v10, v3  }
0xad: {  	v61 =	vperm.xlane v4, v13;
	v25 =	vadd.f32 v25, v60;
	v1 =	vperm.xlane v6, v3  }
0xae: {  	v23 =	vsub.f32 v23, v9;
	v51 =	vmul.f32 $7.812500000e-03, v51;
	v10 =	vadd.f32 v10, v0  }
0xaf: {  	v4 =	vadd.f32 v4, v61;
	v2 =	vperm.xlane v25, v3;
	v6 =	vadd.f32 v6, v1  }
0xb0: {  	v22 =	vsub.f32 v22, v9;
	v61 =	vmul.f32 v11, v11;
	v0 =	vperm.xlane v10, v12  }
0xb1: {  	v60 =	vperm.xlane v4, v3;
	v25 =	vadd.f32 v25, v2;
	v1 =	vperm.xlane v6, v12  }
0xb2: {  	v2 =	vmul.f32 v9, v9;
	v5 =	vsub.f32 v5, v61;
	v10 =	vadd.f32 v0, v10  }
0xb3: {  	v4 =	vadd.f32 v4, v60;
	v59 =	vperm.xlane v25, v12;
	v6 =	vadd.f32 v1, v6  }
0xb4: {  	v51 =	vsub.f32 v51, v2;
	v5 =	vadd.f32 $9.999999740e-06, v5;
	v10 =	vmul.f32 $7.812500000e-03, v10  }
0xb5: {  	v60 =	vperm.xlane v4, v12;
	v25 =	vadd.f32 v59, v25;
	v6 =	vmul.f32 $7.812500000e-03, v6  }
0xb6: {  	v51 =	vadd.f32 $9.999999740e-06, v51;
	v61 =	vmul.f32 v10, v10;
	v54 =	vsub.f32 v54, v10  }
0xb7: {  	v27 =	vsub.f32 v27, v10;
	v4 =	vadd.f32 v60, v4;
	v25 =	vmul.f32 $7.812500000e-03, v25  }
0xb8: {  	v30 =	vsub.f32 v30, v10;
	v31 =	vsub.f32 v31, v10  }
0xb9: {  	v0 =	vmul.f32 v6, v6;
	v4 =	vmul.f32 $7.812500000e-03, v4;
	v25 =	vsub.f32 v25, v61  }
0xba: {  	v1 =	vshrl.u32 v5, $0x1;
	v32 =	vsub.f32 v32, v10;
	v33 =	vsub.f32 v33, v10  }
0xbb: {  	v5 =	vmul.f32 $5.000000000e-01, v5;
	v4 =	vsub.f32 v4, v0;
	v25 =	vadd.f32 $9.999999740e-06, v25  }
0xbc: {  	v2 =	vshrl.u32 v51, $0x1;
	v51 =	vmul.f32 $5.000000000e-01, v51;
	v60 =	vsub.s32 $0x5F375A86, v1  }
0xbd: {  	v4 =	vadd.f32 $9.999999740e-06, v4;
	v0 =	vshrl.u32 v25, $0x1;
	v25 =	vmul.f32 $5.000000000e-01, v25  }
0xbe: {  	v5 =	vmul.f32 v60, v5;
	v61 =	vsub.s32 $0x5F375A86, v2;
	v56 =	vsub.s32 $0x5F375A86, v0  }
0xbf: {  	v1 =	vshrl.u32 v4, $0x1;
	v4 =	vmul.f32 $5.000000000e-01, v4;
	v25 =	vmul.f32 v56, v25  }
0xc0: {  	v51 =	vmul.f32 v61, v51;
	v5 =	vmul.f32 v60, v5;
	v57 =	vsub.s32 $0x5F375A86, v1  }
0xc1: {  	v34 =	vsub.f32 v34, v10;
	v4 =	vmul.f32 v57, v4;
	v25 =	vmul.f32 v56, v25  }
0xc2: {  	v10 =	vsub.f32 v35, v10;
	v51 =	vmul.f32 v61, v51;
	v5 =	vsub.f32 $1.500000000e+00, v5  }
0xc3: {  	v20 =	vsub.f32 v20, v6;
	v4 =	vmul.f32 v57, v4;
	v25 =	vsub.f32 $1.500000000e+00, v25  }
0xc4: {  	v2 =	vsub.f32 v36, v11;
	v51 =	vsub.f32 $1.500000000e+00, v51;
	v5 =	vmul.f32 v60, v5  }
0xc5: {  	v36 =	vsub.f32 v37, v11;
	v4 =	vsub.f32 $1.500000000e+00, v4;
	v25 =	vmul.f32 v56, v25  }
0xc6: {  	v37 =	vsub.f32 v38, v11;
	v51 =	vmul.f32 v61, v51;
	v0 =	vmul.f32 v5, v2  }
0xc7: {  	v38 =	vsub.f32 v39, v11;
	v4 =	vmul.f32 v57, v4;
	v53 =	vmul.f32 v25, v54  }
0xc8: {  	v39 =	vsub.f32 v40, v11;
	v54 =	vmul.f32 v25, v27;
	v55 =	vmul.f32 v25, v30  }
0xc9: {  	v61 =	vsub.f32 v46, v9;
	v56 =	vmul.f32 v25, v31;
	v57 =	vmul.f32 v25, v32  }
0xca: {  	v27 =	vsub.f32 v41, v11;
	v58 =	vmul.f32 v25, v33;
	v59 =	vmul.f32 v25, v34  }
0xcb: {  	v60 =	vmul.f32 v25, v10;
	v25 =	vsub.f32 v44, v9;
	v44 =	vmul.f32 v5, v36  }
0xcc: {  	v30 =	vsub.f32 v42, v11;
	v10 =	vmul.f32 v5, v37;
	v41 =	vmul.f32 v5, v38  }
0xcd: {  	v11 =	vsub.f32 v43, v11;
	v42 =	vmul.f32 v5, v39;
	v36 =	vmul.f32 v51, v61  }
0xce: {  	v31 =	vsub.f32 v45, v9;
	v39 =	vmul.f32 v5, v27;
	v40 =	vmul.f32 v5, v30  }
0xcf: {  	v37 =	vmul.f32 v5, v11;
	v5 =	vsub.f32 v24, v9;
	v11 =	vsub.f32 v29, v9  }
0xd0: {  	v24 =	vsub.f32 v48, v9;
	v38 =	vmul.f32 v51, v25;
	v35 =	vmul.f32 v51, v31  }
0xd1: {  	v25 =	vsub.f32 v26, v28;
	v9 =	vmul.f32 v51, v23;
	v26 =	vmul.f32 v51, v22  }
0xd2: {  	v23 =	vsub.f32 v52, v6;
	v33 =	vmul.f32 v51, v5;
	v5 =	vsub.f32 v63, v6;
	v63 =	vld [tilespmem:$0x1FE60]  }
0xd3: {  	v27 =	vsub.f32 v7, v6;
	v34 =	vmul.f32 v51, v11;
	v31 =	vmul.f32 v51, v24  }
0xd4: {  	v11 =	vsub.f32 v21, v6;
	v21 =	vsub.f32 v50, v6;
	v22 =	vmul.f32 v47, v25  }
0xd5: {  	v24 =	vsub.f32 v49, v6;
	v25 =	vmul.f32 v4, v23;
	v32 =	vmul.f32 v4, v5  }
0xd6: {  	v51 =	vld [tilespmem:$0x1FF60];
	v5 =	vsub.f32 v8, v6;
	v29 =	vmul.f32 v4, v11;
	v30 =	vmul.f32 v4, v21  }
0xd7: {  	v8 =	vmul.f32 v4, v20;
	v7 =	vmul.f32 v4, v24;
	v6 =	vsub.f32 v63, v28  }
0xd8: {  	v43 =	vld [tilespmem:$0x1FE70];
	v24 =	vmul.f32 v4, v27;
	v5 =	vmul.f32 v4, v5  }
0xd9: {  	v46 =	vld [tilespmem:$0x1FE90];
	v4 =	vmul.f32 v47, v6;
	v6 =	vmul.f32 v22, v18  }
0xda: {  	v45 =	vld [tilespmem:$0x1FE80]  }
0xdb: {  	v63 =	vld [tilespmem:$0x1FEC0];
	v52 =	vadd.f32 v6, v51  }
0xdc: {  	v48 =	vld [tilespmem:$0x1FEA0]  }
0xdd: {  	v50 =	vld [tilespmem:$0x1FEB0];
	v11 =	vsub.f32 v43, v28;
	[tilespmem:s25+$0x130] =	vst v52  }
0xde: {  	v51 =	vld [tilespmem:$0x1FF00]  }
0xdf: {  	v11 =	vmul.f32 v47, v11  }
0xe0: {  	v22 =	vsub.f32 v46, v28;
	v20 =	vmul.f32 v4, v63  }
0xe1: {  	v21 =	vsub.f32 v45, v28;
	v49 =	vsub.f32 v48, v28;
	v11 =	vmul.f32 v11, v19  }
0xe2: {  	v23 =	vmul.f32 v47, v22;
	v22 =	vmul.f32 v53, v63;
	v20 =	vadd.f32 v20, v15  }
0xe3: {  	v4 =	vsub.f32 v62, v28;
	v11 =	vadd.f32 v11, v51  }
0xe4: {  	v28 =	vsub.f32 v50, v28;
	v50 =	vld [tilespmem:$0x1FED0];
	[tilespmem:s25+$0xC0] =	vst v20;
	v20 =	vadd.f32 v22, v15  }
0xe5: {  	v27 =	vmul.f32 v47, v4;
	v4 =	vmul.f32 v47, v49;
	v49 =	vld [tilespmem:$0x1FEE0];
	[tilespmem:s25+$0xD0] =	vst v11  }
0xe6: {  	v13 =	vld [tilespmem:$0x1FEF0];
	[tilespmem:s25+$0xFFFFFEC0] =	vst v20  }
0xe7: {  	v53 =	vld [tilespmem:$0x1FF10]  }
0xe8: {  	v61 =	vmul.f32 v54, v19;
	v43 =	vmul.f32 v58, v17  }
0xe9: {  	v21 =	vmul.f32 v47, v21;
	v6 =	vmul.f32 v47, v28  }
0xea: {  	v28 =	vmul.f32 v57, v14;
	v62 =	vmul.f32 v55, v50  }
0xeb: {  	v46 =	vadd.f32 v61, v51;
	v11 =	vmul.f32 v0, v63;
	v45 =	vmul.f32 v56, v49  }
0xec: {  	s26 =	simm.s32 $0x0;
	s28 =	simm.s32 $0x67C0;
	v20 =	vmul.f32 v60, v18;
	v22 =	vmul.f32 v59, v13;
	v47 =	vadd.f32 v62, v53  }
.LBB2_3:
0xed: {  	v62 =	vld [tilespmem:$0x1FFC0]  }
0xee: {  	v48 =	vld [tilespmem:s28+$0xC0]  }
0xef: {  	v12 =	vld [tilespmem:$0x1FF20]  }
0xf0: {  	v2 =	vld [tilespmem:$0x1FF30]  }
0xf1: {  	v1 =	vld [tilespmem:$0x1FF40]  }
0xf2: {  	v3 =	vld [tilespmem:$0x1FF50]  }
0xf3: {  	v41 =	vmul.f32 v41, v49;
	v49 =	vld [tilespmem:s28+$0xE0]  }
0xf4: {  	v61 =	vld [tilespmem:$0x1FF60]  }
0xf5: {  	v0 =	vld [tilespmem:$0x1FEE0]  }
0xf6: {  	v10 =	vmul.f32 v10, v50;
	v36 =	vmul.f32 v36, v50;
	v50 =	vld [tilespmem:s28+$0xF0]  }
0xf7: {  	v59 =	vld [tilespmem:$0x1FED0]  }
0xf8: {  	v60 =	vld [tilespmem:$0x1FEE0]  }
0xf9: {  	v56 =	vld [tilespmem:$0x1FED0]  }
0xfa: {  	v38 =	vmul.f32 v38, v63;
	v55 =	vmul.f32 v5, v18;
	v57 =	vld [tilespmem:$0x1FEE0];
	[tilespmem:s25+$0xFFFFFED0] =	vst v46  }
0xfb: {  	s24 =	sadd.s32 $0x280, s24;
	v54 =	vmul.f32 v24, v13;
	v24 =	vld [tilespmem:$0x1FFE0];
	[tilespmem:s25+$0xFFFFFEE0] =	vst v47;
	v11 =	vadd.f32 v11, v15  }
0xfc: {  	v46 =	vld [tilespmem:s24+$0xC0];
	[tilespmem:$0x1FE00] =	vst v55;
	v58 =	vmul.f32 v23, v14;
	v23 =	vadd.f32 v38, v15  }
0xfd: {  	v47 =	vld [tilespmem:s28+$0xD0];
	[tilespmem:s25+$0xFFFFFF40] =	vst v11;
	v45 =	vadd.f32 v45, v12  }
0xfe: {  	v52 =	vld [tilespmem:s24+$0xF0];
	v28 =	vadd.f32 v28, v2;
	[tilespmem:s25+$0xFFFFFFC0] =	vst v23  }
0xff: {  	v43 =	vadd.f32 v43, v1;
	v33 =	vmul.f32 v33, v0;
	v0 =	vmul.f32 v8, v60;
	v8 =	vld [tilespmem:s28+$0x110];
	[tilespmem:s25+$0xFFFFFEF0] =	vst v45  }
0x100: {  	v44 =	vmul.f32 v44, v19;
	v37 =	vmul.f32 v37, v18;
	v22 =	vadd.f32 v22, v3;
	v45 =	vld [tilespmem:s24+$0xD0];
	[tilespmem:s25+$0xFFFFFF00] =	vst v28  }
0x101: {  	v42 =	vmul.f32 v42, v14;
	v20 =	vadd.f32 v20, v61;
	v41 =	vadd.f32 v41, v12;
	[tilespmem:s25+$0xFFFFFF10] =	vst v43;
	v43 =	vld [tilespmem:s24+$0xE0]  }
0x102: {  	v5 =	vadd.f32 v37, v61;
	[tilespmem:s25+$0xFFFFFF20] =	vst v22;
	v22 =	vadd.f32 v10, v53;
	v10 =	vmul.f32 v32, v63;
	v32 =	vld [tilespmem:s28+$0x100]  }
0x103: {  	[tilespmem:s25+$0xFFFFFF30] =	vst v20;
	v20 =	vadd.f32 v44, v51;
	v44 =	vmul.f32 v9, v17;
	v28 =	vmul.f32 v29, v19;
	v29 =	vld [tilespmem:s24+$0x100]  }
0x104: {  	v9 =	vmul.f32 v30, v59;
	v30 =	vadd.f32 v42, v2;
	[tilespmem:$0x1FDC0] =	vst v0;
	v42 =	vmul.f32 v7, v17;
	v7 =	vld [tilespmem:s24+$0x110]  }
0x105: {  	v34 =	vmul.f32 v34, v14;
	[tilespmem:s25+$0xFFFFFF70] =	vst v41;
	v0 =	vmul.f32 v27, v56;
	v27 =	vld [tilespmem:s28+$0x120]  }
0x106: {  	v59 =	vmul.f32 v4, v17;
	v4 =	vld [tilespmem:s28+$0x130];
	[tilespmem:s25+$0xFFFFFFB0] =	vst v5  }
0x107: {  	v34 =	vadd.f32 v34, v2;
	v63 =	vmul.f32 v25, v14;
	v2 =	vld [tilespmem:s28+$0xFFFFFED0];
	[tilespmem:s25+$0xFFFFFF50] =	vst v20  }
0x108: {  	v37 =	vld [tilespmem:s24+$0xFFFFFEF0];
	[tilespmem:s25+$0xFFFFFF60] =	vst v22  }
0x109: {  	v39 =	vmul.f32 v39, v17;
	v55 =	vld [tilespmem:s28+$0xFFFFFF00];
	[tilespmem:$0x1FDD0] =	vst v63  }
0x10a: {  	v11 =	vmul.f32 v26, v18;
	v23 =	vadd.f32 v33, v12;
	[tilespmem:$0x1FE10] =	vst v0;
	v0 =	vmul.f32 v21, v57;
	v21 =	vld [tilespmem:s24+$0x120]  }
0x10b: {  	v25 =	vadd.f32 v39, v1;
	[tilespmem:s25+$0xFFFFFF80] =	vst v30;
	v63 =	vld [tilespmem:s24+$0x130]  }
0x10c: {  	v40 =	vmul.f32 v40, v13;
	v35 =	vmul.f32 v35, v19;
	v11 =	vadd.f32 v11, v61;
	[tilespmem:s25+$0xFFFFFFF0] =	vst v23;
	v23 =	vld [tilespmem:s28+$0xFFFFFEE0]  }
0x10d: {  	v60 =	vmul.f32 v6, v13;
	v6 =	vadd.f32 v46, v48;
	[tilespmem:s25+$0xFFFFFF90] =	vst v25;
	v25 =	vadd.f32 v36, v53;
	v22 =	vld [tilespmem:$0x1FFD0]  }
0x10e: {  	v31 =	vmul.f32 v31, v13;
	v5 =	vadd.f32 v35, v51;
	v30 =	vadd.f32 v40, v3;
	v20 =	vld [tilespmem:$0x1FFF0];
	[tilespmem:$0x1FE20] =	vst v0  }
0x10f: {  	v10 =	vadd.f32 v10, v15;
	v0 =	vadd.f32 v44, v1;
	[tilespmem:s25+$0xFFFFFFE0] =	vst v25;
	v25 =	vld [tilespmem:s24+$0xFFFFFED0]  }
0x110: {  	[tilespmem:s25+$0x0] =	vst v34;
	v1 =	vadd.f32 v31, v3;
	v33 =	vadd.f32 v7, v8;
	v7 =	vld [tilespmem:s24+$0xFFFFFEE0]  }
0x111: {  	[tilespmem:s25+$0xFFFFFFD0] =	vst v5;
	v31 =	vadd.f32 v52, v50;
	v5 =	vadd.f32 v45, v47;
	v8 =	vld [tilespmem:s28+$0xFFFFFEF0]  }
0x112: {  	[tilespmem:s25+$0xFFFFFFA0] =	vst v30;
	v30 =	vadd.f32 v43, v49;
	v32 =	vadd.f32 v29, v32;
	v29 =	vmul.f32 v6, v6;
	v49 =	vld [tilespmem:s24+$0xFFFFFF10]  }
0x113: {  	[tilespmem:s25+$0x20] =	vst v1;
	v57 =	vmul.f32 v31, v31;
	v1 =	vld [tilespmem:s24+$0xFFFFFF50];
	v34 =	vadd.f32 v21, v27;
	v4 =	vadd.f32 v63, v4  }
0x114: {  	[tilespmem:$0x1FDF0] =	vst v54;
	v21 =	vadd.f32 v5, v6;
	v27 =	vadd.f32 v31, v30;
	v53 =	vmul.f32 v5, v5;
	v63 =	vld [tilespmem:s28+$0xFFFFFF10]  }
0x115: {  	[tilespmem:$0x1FE30] =	vst v58;
	v52 =	vadd.f32 v33, v32;
	v54 =	vmul.f32 v30, v30;
	v35 =	vadd.f32 v25, v2;
	v25 =	vld [tilespmem:s24+$0xFFFFFF00]  }
0x116: {  	[tilespmem:$0x1FE40] =	vst v59;
	v58 =	vmul.f32 v32, v32;
	v59 =	vmul.f32 v33, v33;
	v29 =	vadd.f32 v53, v29;
	v53 =	vld [tilespmem:s28+$0xFFFFFF20]  }
0x117: {  	[tilespmem:$0x1FE50] =	vst v60;
	v56 =	vadd.f32 v4, v34;
	v60 =	vmul.f32 v34, v34;
	v36 =	vadd.f32 v7, v23;
	v7 =	vld [tilespmem:s24+$0xFFFFFF20]  }
0x118: {  	v21 =	vadd.f32 v27, v21;
	v48 =	vmul.f32 v4, v4;
	v38 =	vadd.f32 v59, v58;
	v23 =	vld [tilespmem:s28+$0xFFFFFF30]  }
0x119: {  	v39 =	vadd.f32 v37, v8;
	v8 =	vld [tilespmem:s24+$0xFFFFFF30];
	v27 =	vadd.f32 v56, v52  }
0x11a: {  	v52 =	vadd.f32 v57, v54;
	v54 =	vadd.f32 v48, v60;
	v56 =	vld [tilespmem:s24+$0xFFFFFF80]  }
0x11b: {  	v37 =	vadd.f32 v49, v63;
	v63 =	vld [tilespmem:s24+$0xFFFFFF40];
	v21 =	vadd.f32 v27, v21  }
0x11c: {  	v27 =	vadd.f32 v52, v29;
	v29 =	vadd.f32 v54, v38;
	v52 =	vld [tilespmem:s24+$0xFFFFFF60]  }
0x11d: {  	v50 =	vmul.f32 v35, v35;
	v59 =	vmul.f32 v39, v39;
	v38 =	vadd.f32 v25, v55;
	v55 =	vld [tilespmem:s28+$0xFFFFFF40]  }
0x11e: {  	v27 =	vadd.f32 v29, v27;
	v29 =	vperm.xlane v21, v62;
	v40 =	vadd.f32 v7, v53;
	v7 =	vld [tilespmem:s28+$0xFFFFFF50]  }
0x11f: {  	[tilespmem:$0x1FDB0] =	vst v50;
	v50 =	vld [tilespmem:s28+$0xFFFFFFA0];
	v25 =	vmul.f32 v36, v36;
	v41 =	vadd.f32 v8, v23;
	v60 =	vmul.f32 v38, v38  }
0x120: {  	[tilespmem:s25+$0x10] =	vst v0;
	v8 =	vld [tilespmem:s28+$0xFFFFFF60];
	v0 =	vadd.f32 v37, v38;
	v21 =	vadd.f32 v21, v29;
	v29 =	vperm.xlane v27, v62  }
0x121: {  	v53 =	vld [tilespmem:s28+$0xFFFFFF70];
	v26 =	vadd.f32 v59, v25;
	v25 =	vmul.f32 v37, v37;
	v2 =	vmul.f32 v40, v40  }
0x122: {  	[tilespmem:$0x1FDE0] =	vst v42;
	v23 =	vadd.f32 v27, v29;
	v27 =	vperm.xlane v21, v24;
	v42 =	vadd.f32 v63, v55;
	v55 =	vld [tilespmem:s24+$0xFFFFFF70]  }
0x123: {  	v54 =	vmul.f32 v41, v41;
	v29 =	vadd.f32 v25, v60;
	v60 =	vld [tilespmem:$0x1FF00];
	v44 =	vadd.f32 v1, v7  }
0x124: {  	v63 =	vld [tilespmem:$0x1FF10];
	v21 =	vadd.f32 v21, v27;
	v25 =	vperm.xlane v23, v24;
	v27 =	vadd.f32 v41, v40  }
0x125: {  	v7 =	vld [tilespmem:s28+$0xFFFFFF80];
	v45 =	vadd.f32 v52, v8;
	v58 =	vmul.f32 v42, v42;
	v59 =	vmul.f32 v44, v44  }
0x126: {  	[tilespmem:s25+$0x30] =	vst v11;
	v8 =	vld [tilespmem:s28+$0xFFFFFF90];
	v11 =	vadd.f32 v23, v25;
	v23 =	vperm.xlane v21, v22;
	v25 =	vadd.f32 v27, v0  }
0x127: {  	v52 =	vld [tilespmem:s24+$0xFFFFFFA0];
	v27 =	vadd.f32 v54, v2;
	v47 =	vadd.f32 v55, v53  }
0x128: {  	[tilespmem:s25+$0x40] =	vst v10;
	v46 =	vadd.f32 v59, v58;
	v10 =	vadd.f32 v21, v23;
	v21 =	vperm.xlane v11, v22;
	v23 =	vld [tilespmem:s24+$0xFFFFFF90]  }
0x129: {  	v54 =	vld [tilespmem:s24+$0xFFFFFFB0];
	v28 =	vadd.f32 v28, v60;
	v9 =	vadd.f32 v9, v63  }
0x12a: {  	v48 =	vadd.f32 v56, v7;
	v7 =	vld [tilespmem:s28+$0xFFFFFFB0];
	v11 =	vadd.f32 v11, v21;
	v21 =	vperm.xlane v10, v20  }
0x12b: {  	v53 =	vmul.f32 v45, v45;
	v27 =	vadd.f32 v27, v29;
	v29 =	vadd.f32 v44, v42  }
0x12c: {  	v1 =	vld [tilespmem:s24+$0xFFFFFFD0];
	v50 =	vadd.f32 v52, v50;
	v10 =	vadd.f32 v21, v10;
	v21 =	vperm.xlane v11, v20  }
0x12d: {  	v55 =	vadd.f32 v47, v45;
	v56 =	vmul.f32 v47, v47;
	[tilespmem:s25+$0x50] =	vst v28;
	v28 =	vld [tilespmem:s24+$0xFFFFFFC0];
	v49 =	vadd.f32 v23, v8  }
0x12e: {  	v8 =	vld [tilespmem:s28+$0xFFFFFFC0];
	v23 =	vmul.f32 v48, v48;
	v11 =	vadd.f32 v21, v11;
	v43 =	vmul.f32 $7.812500000e-03, v10  }
0x12f: {  	v58 =	vld [tilespmem:s28+$0xFFFFFFE0];
	v52 =	vadd.f32 v54, v7;
	v10 =	vadd.f32 v56, v53;
	v0 =	vmul.f32 v49, v49  }
0x130: {  	[tilespmem:s25+$0x60] =	vst v9;
	v9 =	vld [tilespmem:s28+$0xFFFFFFD0];
	v21 =	vadd.f32 v55, v29;
	v11 =	vmul.f32 $7.812500000e-03, v11;
	v29 =	vmul.f32 v43, v43  }
0x131: {  	v60 =	vld [tilespmem:s24+$0xFFFFFFF0];
	v2 =	vadd.f32 v49, v48;
	v46 =	vadd.f32 v10, v46  }
0x132: {  	v10 =	vsub.f32 v11, v29;
	v11 =	vadd.f32 v0, v23;
	v23 =	vld [tilespmem:s24+$0xFFFFFFE0]  }
0x133: {  	v59 =	vadd.f32 v52, v50;
	v53 =	vadd.f32 v28, v8;
	v8 =	vld [tilespmem:s28+$0xFFFFFFF0]  }
0x134: {  	v13 =	vld [tilespmem:s24+$0x20];
	v7 =	vmul.f32 v50, v50;
	v28 =	vadd.f32 $9.999999740e-06, v10  }
0x135: {  	v54 =	vadd.f32 v1, v9;
	v2 =	vadd.f32 v59, v2;
	v59 =	vld [tilespmem:s24+$0x0];
	v29 =	vmul.f32 v52, v52  }
0x136: {  	v10 =	vsub.f32 v5, v43;
	v5 =	vld [tilespmem:s28+$0x0];
	v9 =	vshrl.u32 v28, $0x1;
	v28 =	vmul.f32 $5.000000000e-01, v28  }
0x137: {  	v1 =	vmul.f32 v54, v54;
	v7 =	vadd.f32 v29, v7;
	v29 =	vld [tilespmem:s24+$0x10];
	v9 =	vsub.s32 $0x5F375A86, v9  }
0x138: {  	v55 =	vadd.f32 v23, v58;
	v23 =	vld [tilespmem:s28+$0x10];
	v56 =	vadd.f32 v60, v8;
	v28 =	vmul.f32 v9, v28  }
0x139: {  	v21 =	vadd.f32 v2, v21;
	v0 =	vmul.f32 v53, v53;
	v12 =	vadd.f32 v54, v53;
	v8 =	vld [tilespmem:s28+$0x20]  }
0x13a: {  	v15 =	vld [tilespmem:s24+$0x30];
	v7 =	vadd.f32 v7, v11;
	v16 =	vadd.f32 v56, v55;
	v28 =	vmul.f32 v9, v28  }
0x13b: {  	v63 =	vadd.f32 v1, v0;
	v2 =	vmul.f32 v55, v55;
	v58 =	vadd.f32 v59, v5;
	v5 =	vld [tilespmem:s28+$0x30]  }
0x13c: {  	v14 =	vmul.f32 v56, v56;
	v12 =	vadd.f32 v16, v12;
	v16 =	vld [tilespmem:s24+$0x40];
	v28 =	vsub.f32 $1.500000000e+00, v28  }
0x13d: {  	v11 =	vperm.xlane v21, v62;
	v7 =	vadd.f32 v7, v46;
	v59 =	vadd.f32 v29, v23;
	v23 =	vld [tilespmem:s28+$0x40]  }
0x13e: {  	v60 =	vadd.f32 v13, v8;
	v13 =	vld [tilespmem:s28+$0x50];
	v46 =	vmul.f32 v9, v28;
	v9 =	vadd.f32 v14, v2  }
0x13f: {  	v4 =	vsub.f32 v4, v43;
	v11 =	vadd.f32 v21, v11;
	v14 =	vmul.f32 v58, v58;
	v28 =	vld [tilespmem:s24+$0x50]  }
0x140: {  	v21 =	vmul.f32 v59, v59;
	v29 =	vadd.f32 v9, v63;
	v63 =	vadd.f32 v15, v5  }
0x141: {  	v4 =	vmul.f32 v46, v4  }
0x142: {  	v3 =	vld [tilespmem:$0x1FFC0];
	v5 =	vmul.f32 v60, v60;
	v14 =	vadd.f32 v21, v14;
	v21 =	vmul.f32 v63, v63  }
0x143: {  	v19 =	vld [tilespmem:s24+$0x60];
	v17 =	vperm.xlane v7, v62;
	v9 =	vmul.f32 v4, v18;
	v4 =	vadd.f32 v16, v23  }
0x144: {  	v0 =	vld [tilespmem:s24+$0x70];
	v5 =	vadd.f32 v21, v5;
	v21 =	vadd.f32 v28, v13  }
0x145: {  	v6 =	vsub.f32 v6, v43;
	v7 =	vadd.f32 v7, v17;
	v15 =	vld [tilespmem:s28+$0x60]  }
0x146: {  	v8 =	vadd.f32 v59, v58;
	v16 =	vld [tilespmem:s28+$0x70];
	v13 =	vmul.f32 v4, v4;
	v62 =	vmul.f32 v21, v21  }
0x147: {  	v17 =	vadd.f32 v63, v60;
	v23 =	vadd.f32 v9, v61;
	v9 =	vmul.f32 v46, v6;
	v6 =	vld [tilespmem:s28+$0x80]  }
0x148: {  	v18 =	vperm.xlane v11, v24;
	v13 =	vadd.f32 v62, v13;
	v62 =	vld [tilespmem:$0x1FFC0]  }
0x149: {  	v8 =	vadd.f32 v17, v8;
	v17 =	vld [tilespmem:s24+$0x80]  }
0x14a: {  	v11 =	vadd.f32 v11, v18;
	[tilespmem:s28+$0x130] =	vst v23;
	v23 =	vadd.f32 v19, v15;
	v15 =	vld [tilespmem:s28+$0x90]  }
0x14b: {  	v18 =	vperm.xlane v7, v24;
	v8 =	vadd.f32 v8, v12;
	v5 =	vadd.f32 v5, v14;
	v12 =	vld [tilespmem:s24+$0x90]  }
0x14c: {  	v28 =	vadd.f32 v0, v16;
	v0 =	vld [tilespmem:s28+$0xA0]  }
0x14d: {  	v16 =	vadd.f32 v7, v18;
	v7 =	vadd.f32 v5, v29;
	v29 =	vld [tilespmem:s24+$0xA0];
	v18 =	vperm.xlane v8, v62  }
0x14e: {  	v1 =	vperm.xlane v11, v22;
	v5 =	vadd.f32 v17, v6;
	v17 =	vld [tilespmem:s28+$0xB0]  }
0x14f: {  	v19 =	vadd.f32 v21, v4;
	v14 =	vmul.f32 v23, v23;
	v8 =	vadd.f32 v8, v18;
	v18 =	vld [tilespmem:s24+$0xB0]  }
0x150: {  	v1 =	vadd.f32 v11, v1;
	v11 =	vperm.xlane v7, v3;
	v62 =	vadd.f32 v28, v23  }
0x151: {  	v2 =	vmul.f32 v28, v28;
	v6 =	vadd.f32 v12, v15;
	v15 =	vmul.f32 v5, v5  }
0x152: {  	v11 =	vadd.f32 v7, v11;
	v12 =	vadd.f32 v62, v19;
	v19 =	vperm.xlane v8, v24  }
0x153: {  	v51 =	vld [tilespmem:s24+$0xFFFFFEC0];
	v2 =	vadd.f32 v2, v14;
	v7 =	vadd.f32 v29, v0;
	v14 =	vmul.f32 v6, v6  }
0x154: {  	v3 =	vld [tilespmem:s28+$0xFFFFFEC0];
	v29 =	vperm.xlane v11, v24;
	v19 =	vadd.f32 v8, v19;
	v8 =	vadd.f32 v18, v17  }
0x155: {  	v2 =	vadd.f32 v2, v13;
	v13 =	vadd.f32 v14, v15  }
0x156: {  	v14 =	vmul.f32 v7, v7;
	v11 =	vadd.f32 v11, v29;
	v29 =	vmul.f32 v8, v8;
	_ =	sdelay $0x1  }
0x157: {  	v14 =	vadd.f32 v29, v14;
	v29 =	vld [tilespmem:$0x1FDB0]  }
0x158: {  	v3 =	vadd.f32 v51, v3  }
0x159: {  	v57 =	vadd.f32 v39, v36  }
0x15a: {  	v0 =	vadd.f32 v6, v5;
	v62 =	vmul.f32 v3, v3;
	v15 =	vperm.xlane v19, v22  }
0x15b: {  	v51 =	vadd.f32 v35, v3;
	v17 =	vperm.xlane v16, v22;
	v18 =	vadd.f32 v8, v7  }
0x15c: {  	v15 =	vadd.f32 v19, v15;
	v19 =	vperm.xlane v11, v22;
	v29 =	vadd.f32 v29, v62;
	v62 =	vld [tilespmem:$0x1FFC0]  }
0x15d: {  	v16 =	vadd.f32 v16, v17;
	v0 =	vadd.f32 v18, v0  }
0x15e: {  	v10 =	vmul.f32 v46, v10;
	v18 =	vadd.f32 v57, v51;
	v11 =	vadd.f32 v11, v19  }
0x15f: {  	v51 =	vperm.xlane v1, v20;
	v0 =	vadd.f32 v0, v12;
	v12 =	vadd.f32 v14, v13  }
0x160: {  	v57 =	vperm.xlane v15, v20;
	v13 =	vadd.f32 v25, v18;
	v14 =	vadd.f32 v26, v29  }
0x161: {  	v1 =	vadd.f32 v51, v1;
	v2 =	vadd.f32 v12, v2;
	v12 =	vperm.xlane v0, v62  }
0x162: {  	v18 =	vperm.xlane v16, v20;
	v14 =	vadd.f32 v27, v14;
	v17 =	vperm.xlane v13, v62  }
0x163: {  	v15 =	vadd.f32 v57, v15;
	v0 =	vadd.f32 v0, v12;
	v12 =	vperm.xlane v2, v62  }
0x164: {  	v19 =	vperm.xlane v11, v20;
	v13 =	vadd.f32 v13, v17;
	v17 =	vperm.xlane v14, v62  }
0x165: {  	v16 =	vadd.f32 v18, v16;
	v2 =	vadd.f32 v2, v12;
	v12 =	vperm.xlane v0, v24  }
0x166: {  	v1 =	vmul.f32 $7.812500000e-03, v1;
	v14 =	vadd.f32 v14, v17;
	v17 =	vperm.xlane v13, v24  }
0x167: {  	v11 =	vadd.f32 v19, v11;
	v0 =	vadd.f32 v0, v12;
	v12 =	vperm.xlane v2, v24  }
0x168: {  	v15 =	vmul.f32 $7.812500000e-03, v15;
	v13 =	vadd.f32 v13, v17;
	v17 =	vperm.xlane v14, v24  }
0x169: {  	v16 =	vmul.f32 $7.812500000e-03, v16;
	v2 =	vadd.f32 v2, v12;
	v12 =	vperm.xlane v0, v22  }
0x16a: {  	v11 =	vmul.f32 $7.812500000e-03, v11;
	v14 =	vadd.f32 v14, v17;
	v17 =	vperm.xlane v13, v22  }
0x16b: {  	v19 =	vmul.f32 v15, v15;
	v0 =	vadd.f32 v0, v12;
	v12 =	vperm.xlane v2, v22  }
0x16c: {  	v57 =	vsub.f32 v47, v1;
	v13 =	vadd.f32 v13, v17;
	v17 =	vperm.xlane v14, v22  }
0x16d: {  	v11 =	vsub.f32 v11, v19;
	v2 =	vadd.f32 v2, v12;
	v12 =	vperm.xlane v0, v20  }
0x16e: {  	v29 =	vsub.f32 v45, v1;
	v22 =	vld [tilespmem:$0x1FF70];
	v14 =	vadd.f32 v14, v17;
	v17 =	vperm.xlane v13, v20  }
0x16f: {  	v18 =	vmul.f32 v1, v1;
	v11 =	vadd.f32 $9.999999740e-06, v11;
	v0 =	vadd.f32 v12, v0  }
0x170: {  	v12 =	vperm.xlane v2, v20;
	v13 =	vadd.f32 v17, v13;
	v17 =	vperm.xlane v14, v20  }
0x171: {  	v16 =	vsub.f32 v16, v18;
	v19 =	vshrl.u32 v11, $0x1;
	v11 =	vmul.f32 $5.000000000e-01, v11  }
0x172: {  	v2 =	vadd.f32 v12, v2;
	v12 =	vadd.f32 v17, v14;
	v13 =	vmul.f32 $7.812500000e-03, v13  }
0x173: {  	v16 =	vadd.f32 $9.999999740e-06, v16;
	v51 =	vmul.f32 v10, v22;
	v0 =	vmul.f32 $7.812500000e-03, v0  }
0x174: {  	v47 =	vsub.f32 v54, v15;
	v12 =	vmul.f32 $7.812500000e-03, v12;
	v18 =	vmul.f32 v13, v13  }
0x175: {  	v14 =	vshrl.u32 v16, $0x1;
	v2 =	vmul.f32 $7.812500000e-03, v2;
	v17 =	vmul.f32 v0, v0  }
0x176: {  	v16 =	vmul.f32 $5.000000000e-01, v16;
	v14 =	vsub.s32 $0x5F375A86, v14;
	v12 =	vsub.f32 v12, v18;
	v18 =	vld [tilespmem:$0x1FEC0]  }
0x177: {  	v3 =	vsub.f32 v3, v13;
	v2 =	vsub.f32 v2, v17;
	v17 =	vsub.s32 $0x5F375A86, v19  }
0x178: {  	v20 =	vsub.f32 v35, v13;
	v25 =	vsub.f32 v36, v13;
	v11 =	vmul.f32 v17, v11  }
0x179: {  	v16 =	vmul.f32 v14, v16;
	v27 =	vsub.f32 v39, v13;
	v12 =	vadd.f32 $9.999999740e-06, v12  }
0x17a: {  	v10 =	vsub.f32 v40, v13;
	v2 =	vadd.f32 $9.999999740e-06, v2;
	v11 =	vmul.f32 v17, v11  }
0x17b: {  	v19 =	vshrl.u32 v12, $0x1;
	v12 =	vmul.f32 $5.000000000e-01, v12;
	v18 =	vmul.f32 v9, v18  }
0x17c: {  	v9 =	vmul.f32 v14, v16;
	v16 =	vshrl.u32 v2, $0x1;
	v2 =	vmul.f32 $5.000000000e-01, v2  }
0x17d: {  	v19 =	vsub.s32 $0x5F375A86, v19;
	v11 =	vsub.f32 $1.500000000e+00, v11;
	v16 =	vsub.s32 $0x5F375A86, v16  }
0x17e: {  	v36 =	vsub.f32 v48, v1;
	v12 =	vmul.f32 v19, v12;
	v2 =	vmul.f32 v16, v2  }
0x17f: {  	v9 =	vsub.f32 $1.500000000e+00, v9;
	v11 =	vmul.f32 v17, v11;
	v17 =	vsub.f32 v37, v13  }
0x180: {  	v37 =	vsub.f32 v49, v1;
	v49 =	vsub.f32 v56, v15  }
0x181: {  	v56 =	vsub.f32 v32, v43;
	v12 =	vmul.f32 v19, v12;
	v2 =	vmul.f32 v16, v2  }
0x182: {  	v9 =	vmul.f32 v14, v9;
	v14 =	vsub.f32 v38, v13;
	v13 =	vsub.f32 v41, v13  }
0x183: {  	v38 =	vsub.f32 v50, v1;
	v12 =	vsub.f32 $1.500000000e+00, v12  }
0x184: {  	v50 =	vsub.f32 v58, v15;
	v35 =	vmul.f32 v11, v47;
	v2 =	vsub.f32 $1.500000000e+00, v2  }
0x185: {  	v41 =	vmul.f32 v9, v57;
	v57 =	vsub.f32 v33, v43;
	v12 =	vmul.f32 v19, v12  }
0x186: {  	v62 =	vld [tilespmem:$0x1FE10];
	v19 =	vsub.f32 v44, v1;
	v2 =	vmul.f32 v16, v2;
	v16 =	vsub.f32 v42, v1  }
0x187: {  	v22 =	vld [tilespmem:$0x1FF50];
	v1 =	vsub.f32 v52, v1;
	v52 =	vsub.f32 v59, v15;
	v3 =	vmul.f32 v12, v3  }
0x188: {  	v58 =	vld [tilespmem:$0x1FF30];
	v20 =	vmul.f32 v12, v20;
	v45 =	vmul.f32 v12, v25;
	v25 =	vsub.f32 v53, v15  }
0x189: {  	v48 =	vmul.f32 v12, v27;
	v44 =	vmul.f32 v9, v19;
	v19 =	vsub.f32 v7, v0;
	v7 =	vld [tilespmem:$0x1FDD0]  }
0x18a: {  	v47 =	vld [tilespmem:$0x1FF40];
	v27 =	vsub.f32 v55, v15;
	v14 =	vmul.f32 v12, v14;
	v17 =	vmul.f32 v12, v17  }
0x18b: {  	v33 =	vld [tilespmem:$0x1FDC0];
	v53 =	vsub.f32 v60, v15;
	v15 =	vsub.f32 v63, v15;
	v54 =	vmul.f32 v12, v10  }
0x18c: {  	v59 =	vld [tilespmem:$0x1FF20];
	v12 =	vmul.f32 v12, v13;
	v13 =	vsub.f32 v23, v0;
	v23 =	vsub.f32 v28, v0  }
0x18d: {  	v63 =	vld [tilespmem:$0x1FEC0];
	v28 =	vsub.f32 v30, v43;
	v55 =	vsub.f32 v31, v43  }
0x18e: {  	v39 =	vmul.f32 v9, v37;
	v43 =	vsub.f32 v34, v43;
	v34 =	vld [tilespmem:$0x1FDE0];
	v7 =	vadd.f32 v7, v58  }
0x18f: {  	v40 =	vmul.f32 v9, v38;
	v42 =	vmul.f32 v9, v36;
	v60 =	vld [tilespmem:$0x1FE00]  }
0x190: {  	v10 =	vmul.f32 v9, v29;
	v16 =	vmul.f32 v9, v16;
	[tilespmem:s25+$0x80] =	vst v7;
	v7 =	vld [tilespmem:$0x1FDF0]  }
0x191: {  	v37 =	vmul.f32 v9, v1;
	v9 =	vmul.f32 v11, v52;
	v52 =	vld [tilespmem:$0x1FE20]  }
0x192: {  	v31 =	vmul.f32 v11, v53;
	v53 =	vld [tilespmem:$0x1FF10]  }
0x193: {  	v26 =	vmul.f32 v11, v15;
	v15 =	vld [tilespmem:$0x1FFA0]  }
0x194: {  	v21 =	vsub.f32 v21, v0;
	v30 =	vmul.f32 v2, v13;
	v13 =	vld [tilespmem:$0x1FEF0]  }
0x195: {  	v4 =	vsub.f32 v4, v0;
	v24 =	vmul.f32 v2, v19;
	v19 =	vld [tilespmem:$0x1FF70];
	v7 =	vadd.f32 v7, v22  }
0x196: {  	v29 =	vmul.f32 v2, v21;
	v21 =	vmul.f32 v46, v55;
	v55 =	vld [tilespmem:$0x1FE30];
	v1 =	vadd.f32 v33, v59  }
0x197: {  	v5 =	vsub.f32 v5, v0;
	v6 =	vsub.f32 v6, v0;
	[tilespmem:s25+$0xA0] =	vst v7;
	v7 =	vld [tilespmem:$0x1FF00]  }
0x198: {  	v0 =	vsub.f32 v8, v0;
	v33 =	vmul.f32 v11, v49;
	v49 =	vld [tilespmem:$0x1FEE0];
	[tilespmem:s25+$0x70] =	vst v1;
	v1 =	vadd.f32 v34, v47  }
0x199: {  	v32 =	vmul.f32 v2, v4;
	v34 =	vmul.f32 v11, v50;
	v50 =	vld [tilespmem:$0x1FED0];
	v4 =	vadd.f32 v18, v15  }
0x19a: {  	v38 =	vmul.f32 v11, v25;
	v36 =	vmul.f32 v11, v27;
	[tilespmem:s25+$0x90] =	vst v1;
	v1 =	vadd.f32 v60, v61;
	v61 =	vld [tilespmem:$0x1FF80]  }
0x19b: {  	v25 =	vmul.f32 v2, v5;
	[tilespmem:s28+$0xC0] =	vst v4;
	v4 =	vmul.f32 v46, v57;
	v57 =	vld [tilespmem:$0x1FE40]  }
0x19c: {  	v5 =	vmul.f32 v2, v0;
	v0 =	vadd.f32 v52, v59;
	v59 =	vld [tilespmem:$0x1FE50];
	v11 =	vadd.f32 v51, v7  }
0x19d: {  	[tilespmem:s25+$0xB0] =	vst v1;
	v1 =	vadd.f32 v62, v53;
	v62 =	vld [tilespmem:$0x1FF90]  }
0x19e: {  	s26 =	sadd.s32 $0x5, s26;
	v8 =	vmul.f32 v2, v23;
	v27 =	vmul.f32 v46, v28;
	v18 =	vld [tilespmem:$0x1FFB0];
	[tilespmem:s28+$0xD0] =	vst v11  }
0x19f: {  	p0 =	slt.u32 s26, $0xC3;
	v23 =	vmul.f32 v46, v56;
	v28 =	vmul.f32 v14, v61;
	v51 =	vld [tilespmem:$0x1FF00];
	[tilespmem:s25+$0xE0] =	vst v1;
	v1 =	vadd.f32 v55, v58  }
.Ltmp2:
0x1a0: {  	v7 =	vmul.f32 v2, v6;
	[tilespmem:s25+$0xF0] =	vst v0;
	v0 =	vadd.f32 v57, v47;
	v58 =	vmul.f32 v3, v63;
	(pc) =	sbr.rel @p0 .LBB2_3-.Ltmp2, $4  }
0x1a1: {  	v6 =	vmul.f32 v46, v43;
	v11 =	vmul.f32 v45, v50;
	[tilespmem:s25+$0x100] =	vst v1;
	v1 =	vadd.f32 v59, v22  }
0x1a2: {  	v43 =	vmul.f32 v17, v62;
	v3 =	vmul.f32 v20, v19;
	[tilespmem:s25+$0x110] =	vst v0;
	v60 =	vadd.f32 v58, v15  }
0x1a3: {  	v14 =	vld [tilespmem:$0x1FF80];
	v45 =	vmul.f32 v48, v49;
	v20 =	vmul.f32 v12, v18;
	v47 =	vadd.f32 v11, v53;
	[tilespmem:s25+$0x120] =	vst v1;
	s25 =	smov.u32 s28  }
0x1a4: {  	v17 =	vld [tilespmem:$0x1FF90];
	v11 =	vmul.f32 v16, v63;
	v46 =	vadd.f32 v3, v51;
	v22 =	vmul.f32 v54, v13;
	s28 =	sadd.s32 $0x280, s28;
	[tilespmem:s25+$0xFFFFFEC0] =	vst v60  }
0x1a5: {  	_ = 	snop  }
0x1a6: {  	[tilespmem:s25+$0xFFFFFED0] =	vst v46  }
0x1a7: {  	v46 =	vld [tilespmem:$0x1FF20];
	_ =	sdelay $0x4  }
0x1a8: {  	v0 =	vadd.f32 v45, v46  }
0x1a9: {  	[tilespmem:s25+$0xFFFFFEE0] =	vst v47  }
0x1aa: {  	v45 =	vld [tilespmem:$0x1FF30];
	[tilespmem:s25+$0xFFFFFEF0] =	vst v0  }
0x1ab: {  	v16 =	vld [tilespmem:$0x1FF40];
	_ =	sdelay $0x3  }
0x1ac: {  	v1 =	vadd.f32 v28, v45  }
0x1ad: {  	v2 =	vmul.f32 v44, v19;
	v62 =	vadd.f32 v43, v16  }
0x1ae: {  	v47 =	vadd.f32 v11, v15;
	v52 =	vmul.f32 v42, v14;
	[tilespmem:s25+$0xFFFFFF00] =	vst v1  }
0x1af: {  	v61 =	vmul.f32 v36, v50;
	v48 =	vadd.f32 v2, v51;
	v12 =	vld [tilespmem:$0x1FF50];
	[tilespmem:s25+$0xFFFFFF10] =	vst v62  }
0x1b0: {  	v36 =	vmul.f32 v9, v17;
	v56 =	vadd.f32 v52, v45;
	v3 =	vld [tilespmem:$0x1FF60];
	[tilespmem:s25+$0xFFFFFF40] =	vst v47  }
0x1b1: {  	v2 =	vadd.f32 v61, v53;
	v52 =	vmul.f32 v27, v50;
	[tilespmem:s25+$0xFFFFFF50] =	vst v48  }
0x1b2: {  	v1 =	vadd.f32 v36, v16;
	[tilespmem:s25+$0xFFFFFF80] =	vst v56  }
0x1b3: {  	v57 =	vmul.f32 v37, v18;
	v37 =	vmul.f32 v31, v13;
	[tilespmem:s25+$0xFFFFFFE0] =	vst v2;
	v56 =	vadd.f32 v52, v53  }
0x1b4: {  	[tilespmem:s25+$0x10] =	vst v1;
	v43 =	vadd.f32 v22, v12  }
0x1b5: {  	v0 =	vadd.f32 v37, v12;
	[tilespmem:s25+$0xE0] =	vst v56  }
0x1b6: {  	[tilespmem:s25+$0xFFFFFF20] =	vst v43;
	v44 =	vadd.f32 v20, v3;
	v20 =	vmov v3;
	v3 =	vmul.f32 v10, v50  }
0x1b7: {  	[tilespmem:s25+$0x20] =	vst v0;
	v10 =	vmul.f32 v41, v49;
	v60 =	vadd.f32 v57, v20  }
0x1b8: {  	v57 =	vmul.f32 v4, v17;
	[tilespmem:s25+$0xFFFFFF30] =	vst v44;
	v54 =	vadd.f32 v3, v53  }
0x1b9: {  	v3 =	vmul.f32 v39, v17;
	v55 =	vadd.f32 v10, v46;
	[tilespmem:s25+$0xFFFFFFB0] =	vst v60  }
0x1ba: {  	v10 =	vmul.f32 v40, v13;
	v60 =	vadd.f32 v57, v16;
	[tilespmem:s25+$0xFFFFFF60] =	vst v54  }
0x1bb: {  	v40 =	vmul.f32 v30, v50;
	[tilespmem:s25+$0xFFFFFF70] =	vst v55;
	v58 =	vadd.f32 v3, v16  }
0x1bc: {  	v5 =	vmul.f32 v5, v18;
	v3 =	vmul.f32 v38, v63;
	v59 =	vadd.f32 v10, v12;
	[tilespmem:s25+$0x110] =	vst v60  }
0x1bd: {  	v10 =	vmul.f32 v35, v19;
	v43 =	vadd.f32 v40, v53;
	[tilespmem:s25+$0xFFFFFF90] =	vst v58  }
0x1be: {  	v55 =	vadd.f32 v5, v20;
	[tilespmem:s25+$0xFFFFFFA0] =	vst v59;
	v62 =	vadd.f32 v3, v15;
	v3 =	vmul.f32 v33, v49  }
0x1bf: {  	[tilespmem:s25+$0x60] =	vst v43  }
0x1c0: {  	v35 =	vadd.f32 v10, v51;
	v10 =	vmul.f32 v34, v14;
	[tilespmem:s25+$0xB0] =	vst v55;
	v3 =	vadd.f32 v3, v46  }
0x1c1: {  	v38 =	vmul.f32 v26, v18;
	v5 =	vmul.f32 v23, v14;
	[tilespmem:s25+$0xFFFFFFC0] =	vst v62  }
0x1c2: {  	v9 =	vadd.f32 v10, v45;
	[tilespmem:s25+$0xFFFFFFF0] =	vst v3;
	v3 =	vmul.f32 v32, v63  }
0x1c3: {  	v39 =	vadd.f32 v38, v20;
	v59 =	vadd.f32 v5, v45;
	[tilespmem:s25+$0xFFFFFFD0] =	vst v35  }
0x1c4: {  	[tilespmem:s25+$0x0] =	vst v9;
	v9 =	vmul.f32 v29, v19;
	v41 =	vadd.f32 v3, v15;
	v3 =	vmul.f32 v8, v49  }
0x1c5: {  	v44 =	vmul.f32 v7, v17;
	[tilespmem:s25+$0x30] =	vst v39  }
0x1c6: {  	[tilespmem:s25+$0x100] =	vst v59;
	v42 =	vadd.f32 v9, v51;
	v47 =	vadd.f32 v3, v46;
	v3 =	vmul.f32 v24, v13  }
0x1c7: {  	v8 =	vmul.f32 v25, v14;
	v51 =	vadd.f32 v44, v16;
	[tilespmem:s25+$0x40] =	vst v41  }
0x1c8: {  	[tilespmem:s25+$0x50] =	vst v42;
	v54 =	vadd.f32 v3, v12;
	v3 =	vmul.f32 v21, v49  }
0x1c9: {  	v48 =	vadd.f32 v8, v45;
	[tilespmem:s25+$0x90] =	vst v51  }
0x1ca: {  	s24 =	sshll.u32 s23, $0x1;
	[tilespmem:s25+$0x70] =	vst v47;
	v58 =	vadd.f32 v3, v46;
	v3 =	vmul.f32 v6, v13  }
0x1cb: {  	s26 =	sadd.s32 s6, s24;
	[tilespmem:s25+$0x80] =	vst v48  }
0x1cc: {  	s26 =	smul.u32 $0xC80, s26;
	[tilespmem:s25+$0xA0] =	vst v54;
	v61 =	vadd.f32 v3, v12  }
0x1cd: {  	[tilespmem:s25+$0xF0] =	vst v58  }
0x1ce: {  	s31 =	sadd.s32 s5, s26;
	[tilespmem:s25+$0x120] =	vst v61  }
0x1cf: {  	[hbm4b:s31+s7] =	stream.linear.scatter [tilespmem:s16], [sflag:$0x3], $0x6400, $0x38;
	[tilespmem:$0x19100] =	vst v63  }
0x1d0: {  	_ =	swait.ge [sflag:s19], $0x6400  }
0x1d1: {  	[sflag:s19] =	ssyncset.done $0x0  }
0x1d2: {  	s25 =	simm.s32 $0xC940;
	v61 =	vld [tilespmem:$0x1FFD0];
	[sflag:s19] =	ssyncadd.s32 $0xFFFF9C00  }
0x1d3: {  	s26 =	simm.s32 $0x12D40;
	v62 =	vld [tilespmem:s25+$0xC0]  }
0x1d4: {  	v32 =	vld [tilespmem:s26+$0xC0]  }
0x1d5: {  	v33 =	vld [tilespmem:s25+$0xD0]  }
0x1d6: {  	v3 =	vld [tilespmem:s26+$0xD0]  }
0x1d7: {  	v4 =	vld [tilespmem:s25+$0xE0]  }
0x1d8: {  	v5 =	vld [tilespmem:s26+$0xE0]  }
0x1d9: {  	v6 =	vld [tilespmem:s25+$0xF0]  }
0x1da: {  	v7 =	vld [tilespmem:s26+$0xF0]  }
0x1db: {  	v8 =	vld [tilespmem:s25+$0x100]  }
0x1dc: {  	v9 =	vld [tilespmem:s26+$0x100]  }
0x1dd: {  	v10 =	vld [tilespmem:s25+$0x110]  }
0x1de: {  	v11 =	vld [tilespmem:s26+$0x110]  }
0x1df: {  	v34 =	vld [tilespmem:s25+$0x120]  }
0x1e0: {  	v35 =	vld [tilespmem:s26+$0x120]  }
0x1e1: {  	v36 =	vld [tilespmem:s25+$0x130]  }
0x1e2: {  	v15 =	vld [tilespmem:s26+$0x130]  }
0x1e3: {  	v47 =	vld [tilespmem:s26+$0xFFFFFEC0]  }
0x1e4: {  	v16 =	vld [tilespmem:s25+$0xFFFFFED0]  }
0x1e5: {  	v17 =	vld [tilespmem:s26+$0xFFFFFED0]  }
0x1e6: {  	v18 =	vld [tilespmem:s25+$0xFFFFFEE0]  }
0x1e7: {  	v19 =	vld [tilespmem:s26+$0xFFFFFEE0]  }
0x1e8: {  	v37 =	vld [tilespmem:s25+$0xFFFFFEF0];
	v4 =	vadd.f32 v5, v4;
	v20 =	vadd.f32 v7, v6  }
0x1e9: {  	v25 =	vadd.f32 v32, v62;
	v62 =	vld [tilespmem:$0x1FFC0]  }
0x1ea: {  	[tilespmem:$0x1FDA0] =	vst v20;
	v6 =	vadd.f32 v20, v4;
	v41 =	vmul.f32 v20, v20;
	v20 =	vld [tilespmem:$0x1FFE0]  }
0x1eb: {  	[tilespmem:$0x1FD90] =	vst v4;
	v40 =	vmul.f32 v4, v4;
	v4 =	vld [tilespmem:$0x1FFF0]  }
0x1ec: {  	v38 =	vld [tilespmem:s26+$0xFFFFFEF0]  }
0x1ed: {  	v39 =	vld [tilespmem:s25+$0xFFFFFF00]  }
0x1ee: {  	v24 =	vadd.f32 v3, v33;
	v3 =	vld [tilespmem:s26+$0xFFFFFF00]  }
0x1ef: {  	v7 =	vld [tilespmem:s25+$0xFFFFFF10]  }
0x1f0: {  	v21 =	vadd.f32 v9, v8;
	v22 =	vadd.f32 v11, v10;
	v11 =	vld [tilespmem:s26+$0xFFFFFF10]  }
0x1f1: {  	v23 =	vadd.f32 v35, v34;
	v26 =	vadd.f32 v15, v36;
	v15 =	vld [tilespmem:s25+$0xFFFFFF20]  }
0x1f2: {  	v27 =	vadd.f32 v17, v16;
	v5 =	vadd.f32 v24, v25;
	v8 =	vmul.f32 v25, v25;
	v17 =	vld [tilespmem:s26+$0xFFFFFF20]  }
0x1f3: {  	v9 =	vadd.f32 v22, v21;
	v10 =	vmul.f32 v24, v24;
	v28 =	vmul.f32 v21, v21;
	v42 =	vld [tilespmem:s25+$0xFFFFFF30]  }
0x1f4: {  	v13 =	vadd.f32 v26, v23;
	v16 =	vmul.f32 v22, v22;
	v29 =	vmul.f32 v23, v23;
	v43 =	vld [tilespmem:s26+$0xFFFFFF30]  }
0x1f5: {  	v45 =	vld [tilespmem:s26+$0xFFFFFF40];
	v5 =	vadd.f32 v6, v5;
	v6 =	vmul.f32 v26, v26;
	v8 =	vadd.f32 v10, v8  }
0x1f6: {  	v52 =	vld [tilespmem:s25+$0xFFFFFF80];
	v10 =	vadd.f32 v41, v40;
	v44 =	vadd.f32 v16, v28  }
0x1f7: {  	v53 =	vld [tilespmem:s26+$0xFFFFFF80];
	v9 =	vadd.f32 v13, v9;
	v6 =	vadd.f32 v6, v29  }
0x1f8: {  	v30 =	vadd.f32 v19, v18;
	v16 =	vld [tilespmem:s25+$0xFFFFFF40];
	v8 =	vadd.f32 v10, v8  }
0x1f9: {  	v46 =	vld [tilespmem:s26+$0xFFFFFF50];
	v5 =	vadd.f32 v9, v5;
	v6 =	vadd.f32 v6, v44  }
0x1fa: {  	v18 =	vld [tilespmem:s26+$0xFFFFFF70];
	v31 =	vadd.f32 v38, v37;
	v32 =	vadd.f32 v3, v39  }
0x1fb: {  	v48 =	vmul.f32 v30, v30;
	v10 =	vld [tilespmem:s25+$0xFFFFFF50];
	v33 =	vadd.f32 v11, v7;
	v49 =	vadd.f32 v6, v8  }
0x1fc: {  	v19 =	vld [tilespmem:s26+$0xFFFFFF90];
	v34 =	vadd.f32 v17, v15;
	v35 =	vadd.f32 v43, v42;
	v6 =	vperm.xlane v5, v62  }
0x1fd: {  	v55 =	vld [tilespmem:s25+$0xFFFFFFF0];
	v40 =	vadd.f32 v53, v52;
	v36 =	vadd.f32 v45, v16;
	v50 =	vperm.xlane v49, v62  }
0x1fe: {  	v15 =	vld [tilespmem:s25+$0xFFFFFF70];
	v7 =	vmul.f32 v31, v31;
	v11 =	vmul.f32 v32, v32;
	v5 =	vadd.f32 v5, v6  }
0x1ff: {  	v3 =	vld [tilespmem:s25+$0xFFFFFF60];
	v17 =	vmul.f32 v33, v33;
	v42 =	vmul.f32 v34, v34;
	v51 =	vadd.f32 v49, v50  }
0x200: {  	v8 =	vld [tilespmem:s26+$0xFFFFFF60];
	v37 =	vadd.f32 v46, v10;
	v9 =	vadd.f32 v7, v48;
	v7 =	vperm.xlane v5, v20  }
0x201: {  	v29 =	vld [tilespmem:s26+$0xFFFFFFD0];
	v6 =	vadd.f32 v33, v32;
	v11 =	vadd.f32 v17, v11;
	v43 =	vperm.xlane v51, v20  }
0x202: {  	v16 =	vld [tilespmem:s25+$0xFFFFFF90];
	v17 =	vmul.f32 v35, v35;
	v5 =	vadd.f32 v5, v7;
	v7 =	vadd.f32 v35, v34  }
0x203: {  	v45 =	vld [tilespmem:s25+$0xFFFFFFA0];
	v39 =	vadd.f32 v18, v15;
	v44 =	vadd.f32 v51, v43  }
0x204: {  	v50 =	vld [tilespmem:s26+$0xFFFFFFC0];
	v46 =	vperm.xlane v5, v61;
	v10 =	vadd.f32 v7, v6;
	v6 =	vadd.f32 v17, v42  }
0x205: {  	v48 =	vmul.f32 v36, v36;
	v49 =	vadd.f32 v37, v36;
	v38 =	vadd.f32 v8, v3;
	v8 =	vld [tilespmem:s25+$0xFFFFFFB0]  }
0x206: {  	v3 =	vperm.xlane v44, v61;
	v5 =	vadd.f32 v5, v46;
	v56 =	vadd.f32 v6, v11;
	v11 =	vld [tilespmem:s26+$0xFFFFFFB0]  }
0x207: {  	v41 =	vadd.f32 v19, v16;
	v18 =	vmul.f32 v39, v39;
	v7 =	vld [tilespmem:s26+$0xFFFFFFA0];
	v17 =	vmul.f32 v38, v38  }
0x208: {  	v6 =	vmul.f32 v37, v37;
	v0 =	vadd.f32 v44, v3;
	v3 =	vld [tilespmem:s25+$0xFFFFFFC0];
	v15 =	vperm.xlane v5, v4  }
0x209: {  	v52 =	vld [tilespmem:s25+$0xFFFFFFD0];
	v54 =	vadd.f32 v18, v17;
	v17 =	vadd.f32 v41, v40  }
0x20a: {  	v53 =	vld [tilespmem:s25+$0xFFFFFFE0];
	v6 =	vadd.f32 v6, v48;
	v51 =	vperm.xlane v0, v4;
	v5 =	vadd.f32 v15, v5  }
0x20b: {  	v15 =	vadd.f32 v39, v38;
	v43 =	vadd.f32 v11, v8;
	v8 =	vld [tilespmem:s25+$0x0]  }
0x20c: {  	v42 =	vadd.f32 v7, v45;
	v11 =	vld [tilespmem:s26+$0x0];
	v0 =	vadd.f32 v51, v0;
	v28 =	vmul.f32 $7.812500000e-03, v5  }
0x20d: {  	v16 =	vmul.f32 v40, v40;
	v5 =	vadd.f32 v15, v49;
	v15 =	vld [tilespmem:s26+$0xFFFFFFE0];
	v44 =	vadd.f32 v50, v3  }
0x20e: {  	v19 =	vld [tilespmem:s26+$0xFFFFFFF0];
	v3 =	vadd.f32 v43, v42;
	v0 =	vmul.f32 $7.812500000e-03, v0;
	v7 =	vmul.f32 v28, v28  }
0x20f: {  	v14 =	vld [tilespmem:s25+$0x10];
	v18 =	vmul.f32 v41, v41;
	v45 =	vadd.f32 v29, v52;
	v6 =	vadd.f32 v54, v6  }
0x210: {  	v12 =	vld [tilespmem:s26+$0x10];
	v3 =	vadd.f32 v3, v17;
	v0 =	vsub.f32 v0, v7  }
0x211: {  	v2 =	vld [tilespmem:s25+$0x20];
	v59 =	vmul.f32 v42, v42;
	v7 =	vadd.f32 v18, v16;
	v29 =	vadd.f32 v11, v8  }
0x212: {  	v16 =	vmul.f32 v43, v43;
	v18 =	vld [tilespmem:s26+$0x20];
	v46 =	vadd.f32 v15, v53;
	v15 =	vadd.f32 v45, v44  }
0x213: {  	v60 =	vld [tilespmem:s25+$0x30];
	v17 =	vmul.f32 v44, v44;
	v3 =	vadd.f32 v3, v5;
	v5 =	vadd.f32 v19, v55  }
0x214: {  	v52 =	vld [tilespmem:s26+$0x70];
	v0 =	vadd.f32 $9.999999740e-06, v0;
	v13 =	vadd.f32 v16, v59;
	v16 =	vmul.f32 v45, v45  }
0x215: {  	v59 =	vld [tilespmem:s26+$0x40];
	v19 =	vmul.f32 v46, v46;
	v8 =	vmul.f32 v5, v5;
	v11 =	vadd.f32 v5, v46  }
0x216: {  	v7 =	vadd.f32 v13, v7;
	v58 =	vadd.f32 v16, v17;
	v16 =	vld [tilespmem:s26+$0x30]  }
0x217: {  	v17 =	vld [tilespmem:s25+$0x40];
	v8 =	vadd.f32 v8, v19;
	v48 =	vadd.f32 v18, v2  }
0x218: {  	v18 =	vld [tilespmem:s26+$0x50];
	v55 =	vadd.f32 v7, v6;
	v6 =	vadd.f32 v12, v14  }
0x219: {  	v11 =	vadd.f32 v11, v15;
	v15 =	vmul.f32 v29, v29;
	v7 =	vperm.xlane v3, v62;
	v12 =	vld [tilespmem:s25+$0x70]  }
0x21a: {  	v14 =	vld [tilespmem:s25+$0x50];
	v13 =	vadd.f32 v8, v58;
	v2 =	vadd.f32 v6, v29;
	v19 =	vmul.f32 v6, v6  }
0x21b: {  	v58 =	vld [tilespmem:s26+$0x60];
	v3 =	vadd.f32 v3, v7;
	v7 =	vadd.f32 v16, v60;
	v16 =	vperm.xlane v55, v62  }
0x21c: {  	v8 =	vmul.f32 v48, v48;
	v60 =	vld [tilespmem:s25+$0x60];
	v49 =	vadd.f32 v59, v17;
	v15 =	vadd.f32 v19, v15  }
0x21d: {  	v17 =	vperm.xlane v3, v20;
	v19 =	vmul.f32 v7, v7;
	v16 =	vadd.f32 v55, v16  }
0x21e: {  	v59 =	vadd.f32 v7, v48;
	v51 =	vadd.f32 v52, v12  }
0x21f: {  	v3 =	vadd.f32 v3, v17;
	v17 =	vld [tilespmem:s26+$0x80];
	v19 =	vadd.f32 v19, v8  }
0x220: {  	v54 =	vshrl.u32 v0, $0x1;
	v8 =	vadd.f32 v18, v14;
	v14 =	vld [tilespmem:s25+$0x80];
	v2 =	vadd.f32 v59, v2  }
0x221: {  	v1 =	vld [tilespmem:s25+$0x90];
	v18 =	vmul.f32 v49, v49;
	v50 =	vadd.f32 v58, v60;
	v58 =	vperm.xlane v16, v20  }
0x222: {  	v60 =	vmul.f32 v8, v8;
	v2 =	vadd.f32 v2, v11;
	v11 =	vadd.f32 v19, v15;
	v15 =	vld [tilespmem:s26+$0x90]  }
0x223: {  	v12 =	vld [tilespmem:s25+$0xA0];
	v55 =	vadd.f32 v8, v49;
	v19 =	vperm.xlane v3, v61;
	v16 =	vadd.f32 v16, v58  }
0x224: {  	v58 =	vld [tilespmem:s26+$0xA0];
	v18 =	vadd.f32 v60, v18;
	v11 =	vadd.f32 v11, v13;
	v60 =	vperm.xlane v2, v62  }
0x225: {  	v0 =	vmul.f32 $5.000000000e-01, v0;
	v3 =	vadd.f32 v3, v19;
	v52 =	vadd.f32 v17, v14  }
0x226: {  	v59 =	vmul.f32 v50, v50;
	v19 =	vld [tilespmem:s26+$0xB0];
	v17 =	vadd.f32 v51, v50;
	v2 =	vadd.f32 v2, v60  }
0x227: {  	v14 =	vld [tilespmem:s25+$0xB0];
	v13 =	vperm.xlane v11, v62;
	v60 =	vsub.s32 $0x5F375A86, v54;
	v53 =	vadd.f32 v15, v1  }
0x228: {  	v1 =	vmul.f32 v51, v51;
	v15 =	vadd.f32 v17, v55;
	v17 =	vld [tilespmem:s25+$0xFFFFFEC0];
	v0 =	vmul.f32 v60, v0  }
0x229: {  	v11 =	vadd.f32 v11, v13;
	v13 =	vperm.xlane v2, v20;
	v54 =	vadd.f32 v58, v12  }
0x22a: {  	v12 =	vmul.f32 v52, v52;
	v1 =	vadd.f32 v1, v59;
	v59 =	vadd.f32 v31, v30  }
0x22b: {  	v58 =	vmul.f32 v53, v53;
	v2 =	vadd.f32 v2, v13;
	v13 =	vadd.f32 v53, v52  }
0x22c: {  	v0 =	vmul.f32 v60, v0;
	v55 =	vadd.f32 v19, v14;
	v1 =	vadd.f32 v1, v18  }
0x22d: {  	v18 =	vperm.xlane v11, v20;
	v12 =	vadd.f32 v58, v12;
	v17 =	vadd.f32 v47, v17  }
0x22e: {  	v0 =	vsub.f32 $1.500000000e+00, v0;
	v19 =	vadd.f32 v55, v54  }
0x22f: {  	v57 =	vmul.f32 v27, v27;
	v11 =	vadd.f32 v11, v18;
	v18 =	vadd.f32 v27, v17  }
0x230: {  	v47 =	vperm.xlane v2, v61;
	v58 =	vmul.f32 v17, v17;
	v13 =	vadd.f32 v19, v13  }
0x231: {  	v19 =	vmul.f32 v54, v54;
	v18 =	vadd.f32 v59, v18;
	v59 =	vmul.f32 v55, v55  }
0x232: {  	v2 =	vadd.f32 v2, v47;
	v47 =	vmul.f32 v60, v0;
	v14 =	vadd.f32 v57, v58  }
0x233: {  	v13 =	vadd.f32 v13, v15;
	v15 =	vperm.xlane v16, v61;
	v19 =	vadd.f32 v59, v19  }
0x234: {  	v57 =	vperm.xlane v11, v61;
	v60 =	vadd.f32 v10, v18;
	v9 =	vadd.f32 v9, v14  }
0x235: {  	v58 =	vadd.f32 v16, v15;
	v15 =	vperm.xlane v3, v4;
	v10 =	vadd.f32 v19, v12  }
0x236: {  	v11 =	vadd.f32 v11, v57;
	v9 =	vadd.f32 v56, v9;
	v16 =	vperm.xlane v60, v62  }
0x237: {  	v59 =	vperm.xlane v2, v4;
	v3 =	vadd.f32 v15, v3;
	v1 =	vadd.f32 v10, v1  }
0x238: {  	v10 =	vperm.xlane v13, v62;
	v0 =	vadd.f32 v60, v16;
	v16 =	vperm.xlane v9, v62  }
0x239: {  	v15 =	vperm.xlane v58, v4;
	v2 =	vadd.f32 v59, v2;
	v60 =	vperm.xlane v1, v62  }
0x23a: {  	v10 =	vadd.f32 v13, v10;
	v9 =	vadd.f32 v9, v16;
	v16 =	vperm.xlane v0, v20  }
0x23b: {  	v56 =	vperm.xlane v11, v4;
	v14 =	vadd.f32 v15, v58;
	v1 =	vadd.f32 v1, v60  }
0x23c: {  	v3 =	vmul.f32 $7.812500000e-03, v3;
	v62 =	vperm.xlane v10, v20;
	v0 =	vadd.f32 v0, v16  }
0x23d: {  	v11 =	vadd.f32 v56, v11;
	v16 =	vperm.xlane v9, v20;
	v57 =	vperm.xlane v1, v20  }
0x23e: {  	v2 =	vmul.f32 $7.812500000e-03, v2;
	v10 =	vadd.f32 v10, v62;
	v15 =	vperm.xlane v0, v61  }
0x23f: {  	v14 =	vmul.f32 $7.812500000e-03, v14;
	v9 =	vadd.f32 v9, v16;
	v1 =	vadd.f32 v1, v57  }
0x240: {  	v58 =	vperm.xlane v10, v61;
	v0 =	vadd.f32 v0, v15;
	v15 =	vmul.f32 v3, v3  }
0x241: {  	v11 =	vmul.f32 $7.812500000e-03, v11;
	v6 =	vsub.f32 v6, v2;
	v59 =	vperm.xlane v9, v61  }
0x242: {  	v10 =	vadd.f32 v10, v58;
	v60 =	vperm.xlane v1, v61;
	v14 =	vsub.f32 v14, v15  }
0x243: {  	v16 =	vmul.f32 v2, v2;
	v9 =	vadd.f32 v9, v59;
	v61 =	vperm.xlane v0, v4  }
0x244: {  	v1 =	vadd.f32 v1, v60;
	v62 =	vperm.xlane v10, v4;
	v58 =	vadd.f32 $9.999999740e-06, v14  }
0x245: {  	v11 =	vsub.f32 v11, v16;
	v0 =	vadd.f32 v61, v0;
	v56 =	vperm.xlane v9, v4  }
0x246: {  	v10 =	vadd.f32 v62, v10;
	v57 =	vperm.xlane v1, v4;
	v15 =	vshrl.u32 v58, $0x1  }
0x247: {  	v9 =	vadd.f32 v56, v9;
	v0 =	vmul.f32 $7.812500000e-03, v0;
	v60 =	vsub.s32 $0x5F375A86, v15  }
0x248: {  	v1 =	vadd.f32 v57, v1;
	v12 =	vmul.f32 $7.812500000e-03, v10;
	v10 =	vadd.f32 $9.999999740e-06, v11  }
0x249: {  	v9 =	vmul.f32 $7.812500000e-03, v9;
	v11 =	vmul.f32 v0, v0;
	v15 =	vsub.f32 v17, v0  }
0x24a: {  	v18 =	vsub.f32 v27, v0;
	v1 =	vmul.f32 $7.812500000e-03, v1;
	v59 =	vmul.f32 v12, v12  }
0x24b: {  	v19 =	vsub.f32 v30, v0;
	v9 =	vsub.f32 v9, v11  }
0x24c: {  	v27 =	vsub.f32 v31, v0;
	v11 =	vmul.f32 $5.000000000e-01, v58;
	v1 =	vsub.f32 v1, v59  }
0x24d: {  	v16 =	vshrl.u32 v10, $0x1;
	v10 =	vmul.f32 $5.000000000e-01, v10;
	v9 =	vadd.f32 $9.999999740e-06, v9  }
0x24e: {  	v61 =	vsub.s32 $0x5F375A86, v16;
	v11 =	vmul.f32 v60, v11;
	v1 =	vadd.f32 $9.999999740e-06, v1  }
0x24f: {  	v10 =	vmul.f32 v61, v10;
	v16 =	vshrl.u32 v9, $0x1;
	v9 =	vmul.f32 $5.000000000e-01, v9  }
0x250: {  	v16 =	vsub.s32 $0x5F375A86, v16;
	v17 =	vshrl.u32 v1, $0x1;
	v1 =	vmul.f32 $5.000000000e-01, v1  }
0x251: {  	v11 =	vmul.f32 v60, v11;
	v9 =	vmul.f32 v16, v9;
	v17 =	vsub.s32 $0x5F375A86, v17  }
0x252: {  	v62 =	vsub.f32 v32, v0;
	v10 =	vmul.f32 v61, v10;
	v1 =	vmul.f32 v17, v1  }
0x253: {  	v30 =	vsub.f32 v34, v0;
	v11 =	vsub.f32 $1.500000000e+00, v11;
	v9 =	vmul.f32 v16, v9  }
0x254: {  	v31 =	vsub.f32 v38, v3;
	v10 =	vsub.f32 $1.500000000e+00, v10;
	v1 =	vmul.f32 v17, v1  }
0x255: {  	v38 =	vsub.f32 v40, v3;
	v11 =	vmul.f32 v60, v11;
	v9 =	vsub.f32 $1.500000000e+00, v9  }
0x256: {  	v14 =	vmul.f32 v61, v10;
	v10 =	vsub.f32 v33, v0;
	v1 =	vsub.f32 $1.500000000e+00, v1  }
0x257: {  	v0 =	vsub.f32 v35, v0;
	v60 =	vsub.f32 v41, v3;
	v9 =	vmul.f32 v16, v9  }
0x258: {  	v61 =	vsub.f32 v8, v12;
	v16 =	vsub.f32 v36, v3;
	v1 =	vmul.f32 v17, v1  }
0x259: {  	v17 =	vsub.f32 v37, v3;
	v15 =	vmul.f32 v9, v15;
	v18 =	vmul.f32 v9, v18  }
0x25a: {  	v37 =	vsub.f32 v39, v3;
	v19 =	vmul.f32 v9, v19;
	v56 =	vmul.f32 v9, v27  }
0x25b: {  	v13 =	vmul.f32 v9, v62;
	v27 =	vsub.f32 v42, v3;
	v57 =	vmul.f32 v9, v10  }
0x25c: {  	v58 =	vmul.f32 v9, v30;
	v3 =	vsub.f32 v43, v3;
	v0 =	vmul.f32 v9, v0  }
0x25d: {  	v16 =	vmul.f32 v11, v16;
	v9 =	vsub.f32 v44, v2;
	v10 =	vmul.f32 v11, v31  }
0x25e: {  	v42 =	vmul.f32 v11, v38;
	v30 =	vsub.f32 v46, v2;
	v39 =	vmul.f32 v11, v60  }
0x25f: {  	v44 =	vmul.f32 v11, v17;
	v17 =	vsub.f32 v45, v2;
	v41 =	vmul.f32 v11, v37  }
0x260: {  	v40 =	vmul.f32 v11, v27;
	v37 =	vmul.f32 v11, v3;
	v3 =	vsub.f32 v5, v2  }
0x261: {  	v5 =	vsub.f32 v29, v2;
	v11 =	vsub.f32 v48, v2;
	v38 =	vmul.f32 v14, v9  }
0x262: {  	v2 =	vsub.f32 v7, v2;
	v36 =	vmul.f32 v14, v30;
	v9 =	vmul.f32 v14, v6  }
0x263: {  	v7 =	vsub.f32 v26, v28;
	v35 =	vmul.f32 v14, v17;
	v33 =	vmul.f32 v14, v3  }
0x264: {  	v34 =	vmul.f32 v14, v5;
	v3 =	vsub.f32 v49, v12;
	v31 =	vmul.f32 v14, v11  }
0x265: {  	v26 =	vmul.f32 v14, v2;
	v6 =	vmul.f32 v47, v7;
	v7 =	vsub.f32 v51, v12;
	v14 =	vld [tilespmem:$0x1FFB0]  }
0x266: {  	v4 =	vld [tilespmem:$0x1FD90];
	v62 =	vsub.f32 v53, v12;
	v5 =	vsub.f32 v50, v12;
	v32 =	vmul.f32 v1, v3  }
0x267: {  	v53 =	vld [tilespmem:$0x1FF60];
	v3 =	vsub.f32 v55, v12;
	v8 =	vmul.f32 v1, v7;
	v7 =	vsub.f32 v24, v28  }
0x268: {  	v60 =	vld [tilespmem:$0x1FFA0];
	v30 =	vmul.f32 v1, v5  }
0x269: {  	v5 =	vmul.f32 v1, v3;
	v3 =	vmul.f32 v47, v7;
	v7 =	vld [tilespmem:$0x1FF70]  }
0x26a: {  	v43 =	vsub.f32 v25, v28;
	v46 =	vmul.f32 v6, v14;
	v6 =	vld [tilespmem:$0x1FDA0]  }
0x26b: {  	v48 =	vld [tilespmem:$0x1FED0];
	v11 =	vsub.f32 v52, v12  }
0x26c: {  	v29 =	vmul.f32 v1, v61;
	v45 =	vmul.f32 v47, v43;
	v51 =	vld [tilespmem:$0x1FF00];
	v17 =	vsub.f32 v54, v12  }
0x26d: {  	v4 =	vsub.f32 v4, v28;
	v49 =	vld [tilespmem:$0x1FEE0];
	v27 =	vmul.f32 v1, v11;
	v24 =	vmul.f32 v1, v62  }
0x26e: {  	v50 =	vld [tilespmem:$0x1FEF0];
	v25 =	vmul.f32 v1, v17;
	v1 =	vmul.f32 v45, v63;
	v2 =	vadd.f32 v46, v53  }
0x26f: {  	v59 =	vsub.f32 v23, v28;
	v52 =	vld [tilespmem:$0x1FF10];
	v3 =	vmul.f32 v3, v7;
	v6 =	vsub.f32 v6, v28  }
0x270: {  	v23 =	vmul.f32 v47, v4;
	v17 =	vld [tilespmem:$0x1FF90];
	v11 =	vsub.f32 v22, v28;
	v1 =	vadd.f32 v1, v60;
	[tilespmem:s25+$0x130] =	vst v2  }
0x271: {  	v4 =	vmul.f32 v15, v63;
	v61 =	vadd.f32 v3, v51;
	v3 =	vld [tilespmem:$0x1FF70];
	v20 =	vmul.f32 v47, v6  }
0x272: {  	v6 =	vmul.f32 v47, v11;
	v11 =	vmul.f32 v19, v48;
	v19 =	vld [tilespmem:$0x1FF70];
	[tilespmem:s25+$0xC0] =	vst v1  }
0x273: {  	v62 =	vadd.f32 v4, v60;
	v4 =	vld [tilespmem:$0x1FF80]  }
0x274: {  	v45 =	vmul.f32 v56, v49;
	v7 =	vsub.f32 v21, v28  }
0x275: {  	v43 =	vmul.f32 v57, v17;
	v21 =	vmul.f32 v58, v50  }
0x276: {  	v22 =	vmul.f32 v47, v7;
	v3 =	vmul.f32 v18, v3  }
0x277: {  	v7 =	vmul.f32 v47, v59;
	[tilespmem:s25+$0xD0] =	vst v61;
	v47 =	vadd.f32 v11, v52;
	v11 =	vmul.f32 v0, v14  }
0x278: {  	s28 =	simm.s32 $0x0;
	s29 =	simm.s32 $0xCBC0;
	[tilespmem:s25+$0xFFFFFEC0] =	vst v62;
	v28 =	vmul.f32 v13, v4;
	v46 =	vadd.f32 v3, v51;
	v4 =	vmul.f32 v16, v63  }
.LBB2_5:
0x279: {  	v62 =	vmul.f32 v44, v19;
	v44 =	vld [tilespmem:$0x1FF30];
	_ =	sdelay $0x3  }
0x27a: {  	v14 =	vld [tilespmem:$0x1FF80]  }
0x27b: {  	v3 =	vmul.f32 v10, v48;
	v10 =	vadd.f32 v28, v44;
	v28 =	vld [tilespmem:$0x1FFA0];
	_ =	sdelay $0x4  }
0x27c: {  	v14 =	vmul.f32 v42, v14;
	v42 =	vld [tilespmem:$0x1FF40];
	v4 =	vadd.f32 v4, v28;
	_ =	sdelay $0x1  }
0x27d: {  	[tilespmem:s25+$0xFFFFFF40] =	vst v4;
	v4 =	vld [tilespmem:$0x1FF70];
	_ =	sdelay $0x2  }
0x27e: {  	v43 =	vadd.f32 v43, v42;
	_ =	sdelay $0x1  }
0x27f: {  	v0 =	vld [tilespmem:s29+$0xC0];
	[tilespmem:s25+$0xFFFFFF10] =	vst v43;
	v43 =	vmul.f32 v29, v4;
	v4 =	vmul.f32 v8, v49  }
0x280: {  	v2 =	vld [tilespmem:$0x1FF20]  }
0x281: {  	[tilespmem:$0x1FCF0] =	vst v4;
	v4 =	vld [tilespmem:$0x1FF80]  }
0x282: {  	v15 =	vld [tilespmem:s29+$0xD0]  }
0x283: {  	v55 =	vld [tilespmem:s29+$0xE0]  }
0x284: {  	v58 =	vld [tilespmem:s29+$0xF0]  }
0x285: {  	s26 =	sadd.s32 $0x280, s26;
	v60 =	vld [tilespmem:$0x1FF90]  }
0x286: {  	[tilespmem:s25+$0xFFFFFED0] =	vst v46;
	v12 =	vld [tilespmem:s26+$0xC0];
	v4 =	vmul.f32 v27, v4  }
0x287: {  	[tilespmem:s25+$0xFFFFFEE0] =	vst v47;
	v46 =	vld [tilespmem:$0x1FF50];
	v56 =	vadd.f32 v11, v53  }
0x288: {  	v59 =	vadd.f32 v62, v51;
	[tilespmem:$0x1FD00] =	vst v4;
	v4 =	vld [tilespmem:$0x1FF90]  }
0x289: {  	v18 =	vld [tilespmem:s26+$0xD0];
	v3 =	vadd.f32 v3, v52;
	[tilespmem:s25+$0xFFFFFF30] =	vst v56  }
0x28a: {  	v11 =	vld [tilespmem:$0x1FF70];
	[tilespmem:s25+$0xFFFFFF50] =	vst v59  }
0x28b: {  	v57 =	vld [tilespmem:s26+$0xE0];
	[tilespmem:s25+$0xFFFFFF60] =	vst v3;
	v1 =	vadd.f32 v45, v2  }
0x28c: {  	v16 =	vmul.f32 v39, v17;
	[tilespmem:s25+$0xFFFFFF00] =	vst v10;
	v10 =	vadd.f32 v21, v46;
	v21 =	vld [tilespmem:$0x1FFB0]  }
0x28d: {  	v61 =	vld [tilespmem:s26+$0xF0];
	v13 =	vmul.f32 v41, v49;
	[tilespmem:s25+$0xFFFFFEF0] =	vst v1;
	v4 =	vmul.f32 v24, v4  }
0x28e: {  	v17 =	vmul.f32 v40, v50;
	v59 =	vld [tilespmem:$0x1FF00];
	v45 =	vmov v2;
	v3 =	vadd.f32 v14, v44;
	[tilespmem:s25+$0xFFFFFF20] =	vst v10  }
0x28f: {  	v62 =	vadd.f32 v13, v45;
	v13 =	vld [tilespmem:s26+$0x100];
	[tilespmem:$0x1FD10] =	vst v4;
	v4 =	vmul.f32 v25, v50  }
0x290: {  	v54 =	vmul.f32 v38, v63;
	v14 =	vld [tilespmem:s26+$0x110];
	[tilespmem:s25+$0xFFFFFF80] =	vst v3;
	v3 =	vadd.f32 v17, v46  }
0x291: {  	v10 =	vld [tilespmem:$0x1FF80];
	[tilespmem:$0x1FD20] =	vst v4;
	v4 =	vmul.f32 v5, v21  }
0x292: {  	v33 =	vmul.f32 v33, v49;
	v35 =	vmul.f32 v35, v11;
	v17 =	vld [tilespmem:s29+$0x130];
	[tilespmem:s25+$0xFFFFFFA0] =	vst v3;
	v3 =	vadd.f32 v54, v28  }
0x293: {  	v11 =	vmul.f32 v26, v21;
	v26 =	vld [tilespmem:s29+$0x100];
	[tilespmem:$0x1FD30] =	vst v4;
	v4 =	vmul.f32 v23, v48  }
0x294: {  	[tilespmem:s25+$0xFFFFFFC0] =	vst v3;
	v3 =	vadd.f32 v33, v45;
	v45 =	vld [tilespmem:s29+$0xFFFFFEF0]  }
0x295: {  	v47 =	vld [tilespmem:s26+$0xFFFFFF00];
	[tilespmem:$0x1FD40] =	vst v4;
	v4 =	vmul.f32 v20, v49  }
0x296: {  	v8 =	vld [tilespmem:s29+$0x110]  }
0x297: {  	v31 =	vmul.f32 v31, v50;
	v2 =	vmul.f32 v9, v60;
	[tilespmem:$0x1FD50] =	vst v4;
	v4 =	vld [tilespmem:$0x1FF80]  }
0x298: {  	v34 =	vmul.f32 v34, v10;
	v10 =	vmul.f32 v32, v63;
	v63 =	vadd.f32 v16, v42;
	v16 =	vld [tilespmem:s26+$0x120]  }
0x299: {  	v19 =	vmul.f32 v37, v21;
	v37 =	vadd.f32 v2, v42;
	v42 =	vadd.f32 v31, v46;
	v46 =	vld [tilespmem:s26+$0xFFFFFEF0]  }
0x29a: {  	[tilespmem:s25+$0xFFFFFFF0] =	vst v3;
	v3 =	vld [tilespmem:s29+$0xFFFFFEE0]  }
0x29b: {  	v33 =	vadd.f32 v14, v8;
	v8 =	vld [tilespmem:s26+$0xFFFFFEE0]  }
0x29c: {  	v5 =	vld [tilespmem:s29+$0x120];
	v4 =	vmul.f32 v22, v4  }
0x29d: {  	v36 =	vmul.f32 v36, v48;
	v20 =	vld [tilespmem:s26+$0x130]  }
0x29e: {  	v9 =	vmul.f32 v30, v48;
	v30 =	vadd.f32 v57, v55;
	v32 =	vadd.f32 v19, v53;
	[tilespmem:$0x1FD60] =	vst v4;
	v4 =	vld [tilespmem:$0x1FF90]  }
0x29f: {  	v35 =	vadd.f32 v35, v51;
	v31 =	vadd.f32 v61, v58;
	v61 =	vld [tilespmem:$0x1FFD0]  }
0x2a0: {  	v19 =	vadd.f32 v36, v52;
	[tilespmem:s25+$0xFFFFFFB0] =	vst v32;
	v32 =	vadd.f32 v13, v26;
	v24 =	vld [tilespmem:s29+$0xFFFFFED0]  }
0x2a1: {  	[tilespmem:s25+$0xFFFFFF70] =	vst v62;
	v13 =	vadd.f32 v31, v30;
	v22 =	vadd.f32 v34, v44;
	v44 =	vld [tilespmem:s26+$0xFFFFFED0]  }
0x2a2: {  	[tilespmem:s25+$0xFFFFFF90] =	vst v63;
	v29 =	vld [tilespmem:s29+$0xFFFFFF10];
	v34 =	vadd.f32 v16, v5;
	v5 =	vadd.f32 v20, v17  }
0x2a3: {  	[tilespmem:s25+$0xFFFFFFE0] =	vst v19;
	v36 =	vadd.f32 v8, v3;
	v4 =	vmul.f32 v6, v4;
	v6 =	vadd.f32 v18, v15;
	v18 =	vld [tilespmem:s29+$0xFFFFFF00]  }
0x2a4: {  	v54 =	vld [tilespmem:s29+$0xFFFFFF60];
	v17 =	vmul.f32 v30, v30;
	v20 =	vmul.f32 v31, v31;
	[tilespmem:s25+$0x0] =	vst v22;
	v19 =	vadd.f32 v5, v34  }
0x2a5: {  	v55 =	vld [tilespmem:s29+$0xFFFFFF70];
	v22 =	vmul.f32 v32, v32;
	[tilespmem:$0x1FD70] =	vst v4;
	v4 =	vmul.f32 v7, v50;
	v7 =	vadd.f32 v12, v0  }
0x2a6: {  	[tilespmem:s25+$0xFFFFFFD0] =	vst v35;
	v3 =	vld [tilespmem:s26+$0xFFFFFF20];
	v26 =	vmul.f32 v34, v34;
	v35 =	vadd.f32 v44, v24;
	v24 =	vmul.f32 v33, v33  }
0x2a7: {  	v48 =	vld [tilespmem:s26+$0xFFFFFF30];
	v15 =	vadd.f32 v33, v32;
	v16 =	vmul.f32 v6, v6;
	v12 =	vadd.f32 v6, v7  }
0x2a8: {  	v50 =	vld [tilespmem:s29+$0xFFFFFF40];
	[tilespmem:$0x1FD80] =	vst v4;
	v14 =	vmul.f32 v7, v7;
	v4 =	vmul.f32 v35, v35;
	v38 =	vadd.f32 v47, v18  }
0x2a9: {  	v18 =	vld [tilespmem:s26+$0xFFFFFF40];
	v12 =	vadd.f32 v13, v12;
	v13 =	vadd.f32 v19, v15;
	v15 =	vmul.f32 v5, v5  }
0x2aa: {  	[tilespmem:$0x1FCE0] =	vst v4;
	v14 =	vadd.f32 v16, v14;
	v16 =	vadd.f32 v20, v17;
	v4 =	vld [tilespmem:$0x1FFC0]  }
0x2ab: {  	v17 =	vld [tilespmem:s29+$0xFFFFFF20];
	v20 =	vadd.f32 v24, v22;
	v15 =	vadd.f32 v15, v26  }
0x2ac: {  	v11 =	vadd.f32 v11, v53;
	v19 =	vld [tilespmem:s26+$0xFFFFFF10];
	v8 =	vadd.f32 v13, v12  }
0x2ad: {  	v12 =	vld [tilespmem:s29+$0xFFFFFF30];
	v13 =	vadd.f32 v16, v14;
	v14 =	vadd.f32 v15, v20  }
0x2ae: {  	v10 =	vadd.f32 v10, v28;
	v39 =	vadd.f32 v46, v45;
	v23 =	vld [tilespmem:$0x1FFE0]  }
0x2af: {  	v56 =	vld [tilespmem:s29+$0xFFFFFF90];
	v49 =	vmul.f32 v36, v36;
	v13 =	vadd.f32 v14, v13;
	v14 =	vperm.xlane v8, v4  }
0x2b0: {  	[tilespmem:s25+$0x20] =	vst v42;
	v15 =	vmul.f32 v39, v39;
	v42 =	vadd.f32 v18, v50;
	v40 =	vadd.f32 v3, v17;
	v3 =	vld [tilespmem:s29+$0xFFFFFF50]  }
0x2b1: {  	[tilespmem:s25+$0x10] =	vst v37;
	v37 =	vadd.f32 v19, v29;
	v19 =	vld [tilespmem:s26+$0xFFFFFF50];
	v8 =	vadd.f32 v8, v14;
	v14 =	vperm.xlane v13, v4  }
0x2b2: {  	v58 =	vld [tilespmem:s29+$0xFFFFFFA0];
	v16 =	vmul.f32 v38, v38;
	v27 =	vadd.f32 v15, v49;
	v41 =	vadd.f32 v48, v12  }
0x2b3: {  	v25 =	vmovc v21;
	v21 =	vld [tilespmem:$0x1FFF0];
	v15 =	vmul.f32 v37, v37;
	v12 =	vadd.f32 v13, v14;
	v13 =	vperm.xlane v8, v23  }
0x2b4: {  	v22 =	vld [tilespmem:s26+$0xFFFFFF70];
	v17 =	vadd.f32 v37, v38;
	v18 =	vadd.f32 v41, v40;
	v20 =	vmul.f32 v41, v41  }
0x2b5: {  	v14 =	vadd.f32 v15, v16;
	v16 =	vld [tilespmem:s26+$0xFFFFFF60];
	v8 =	vadd.f32 v8, v13;
	v13 =	vperm.xlane v12, v23  }
0x2b6: {  	v62 =	vld [tilespmem:s29+$0xFFFFFFD0];
	v15 =	vmul.f32 v40, v40;
	v44 =	vadd.f32 v19, v3;
	v26 =	vadd.f32 v18, v17  }
0x2b7: {  	[tilespmem:s25+$0x30] =	vst v11;
	v3 =	vld [tilespmem:s29+$0xFFFFFF80];
	v18 =	vadd.f32 v43, v59;
	v11 =	vadd.f32 v12, v13;
	v12 =	vperm.xlane v8, v61  }
0x2b8: {  	[tilespmem:s25+$0x40] =	vst v10;
	v13 =	vadd.f32 v20, v15;
	v15 =	vld [tilespmem:s26+$0xFFFFFF80]  }
0x2b9: {  	v47 =	vadd.f32 v22, v55;
	[tilespmem:s25+$0x50] =	vst v18;
	v18 =	vld [tilespmem:s26+$0xFFFFFFD0];
	v8 =	vadd.f32 v8, v12;
	v10 =	vperm.xlane v11, v61  }
0x2ba: {  	v9 =	vadd.f32 v9, v52;
	v17 =	vmul.f32 v42, v42;
	v45 =	vadd.f32 v16, v54;
	v16 =	vld [tilespmem:s26+$0xFFFFFFA0]  }
0x2bb: {  	v20 =	vmul.f32 v47, v47;
	v12 =	vld [tilespmem:s26+$0xFFFFFF90];
	v10 =	vadd.f32 v11, v10;
	v11 =	vperm.xlane v8, v21  }
0x2bc: {  	v29 =	vadd.f32 v13, v14;
	v13 =	vadd.f32 v44, v42;
	v14 =	vmul.f32 v44, v44  }
0x2bd: {  	v48 =	vadd.f32 v15, v3;
	v3 =	vld [tilespmem:s29+$0xFFFFFFB0];
	v8 =	vadd.f32 v11, v8;
	v11 =	vperm.xlane v10, v21  }
0x2be: {  	v19 =	vadd.f32 v47, v45;
	v14 =	vadd.f32 v14, v17;
	v17 =	vmul.f32 v45, v45;
	v15 =	vld [tilespmem:s26+$0xFFFFFFB0]  }
0x2bf: {  	v60 =	vld [tilespmem:s29+$0xFFFFFFC0];
	v54 =	vadd.f32 v18, v62;
	v10 =	vadd.f32 v11, v10;
	v43 =	vmul.f32 $7.812500000e-03, v8  }
0x2c0: {  	v63 =	vld [tilespmem:s29+$0xFFFFFFF0];
	v50 =	vadd.f32 v16, v58;
	v49 =	vadd.f32 v12, v56;
	v12 =	vmul.f32 v48, v48  }
0x2c1: {  	[tilespmem:s25+$0x60] =	vst v9;
	v8 =	vadd.f32 v19, v13;
	v13 =	vld [tilespmem:s26+$0xFFFFFFC0];
	v9 =	vmul.f32 $7.812500000e-03, v10;
	v10 =	vmul.f32 v43, v43  }
0x2c2: {  	v46 =	vld [tilespmem:s29+$0x0];
	v11 =	vadd.f32 v20, v17;
	v16 =	vadd.f32 v49, v48;
	v17 =	vmul.f32 v49, v49  }
0x2c3: {  	v52 =	vadd.f32 v15, v3;
	v15 =	vld [tilespmem:s29+$0xFFFFFFE0];
	v9 =	vsub.f32 v9, v10  }
0x2c4: {  	v14 =	vadd.f32 v11, v14;
	v10 =	vadd.f32 v17, v12;
	v12 =	vld [tilespmem:s26+$0xFFFFFFE0]  }
0x2c5: {  	v2 =	vld [tilespmem:s29+$0x30];
	v3 =	vmul.f32 v50, v50;
	v7 =	vsub.f32 v7, v43;
	v9 =	vadd.f32 $9.999999740e-06, v9  }
0x2c6: {  	v19 =	vld [tilespmem:s26+$0xFFFFFFF0];
	v17 =	vmul.f32 v52, v52;
	v53 =	vadd.f32 v13, v60;
	v13 =	vadd.f32 v52, v50  }
0x2c7: {  	v20 =	vld [tilespmem:s26+$0x20];
	v11 =	vsub.f32 v6, v43;
	v6 =	vshrl.u32 v9, $0x1;
	v9 =	vmul.f32 $5.000000000e-01, v9  }
0x2c8: {  	v3 =	vadd.f32 v17, v3;
	v13 =	vadd.f32 v13, v16;
	v16 =	vld [tilespmem:s26+$0x0];
	v6 =	vsub.s32 $0x5F375A86, v6  }
0x2c9: {  	v5 =	vsub.f32 v5, v43;
	v55 =	vadd.f32 v12, v15;
	v12 =	vld [tilespmem:s29+$0x10];
	v9 =	vmul.f32 v6, v9  }
0x2ca: {  	v3 =	vadd.f32 v3, v10;
	v8 =	vadd.f32 v13, v8;
	v13 =	vld [tilespmem:s26+$0x10]  }
0x2cb: {  	v56 =	vadd.f32 v19, v63;
	v60 =	vld [tilespmem:s29+$0x20];
	v17 =	vmul.f32 v54, v54;
	v9 =	vmul.f32 v6, v9  }
0x2cc: {  	v18 =	vmul.f32 v53, v53;
	v3 =	vadd.f32 v3, v14;
	v14 =	vld [tilespmem:s26+$0x30];
	v19 =	vmul.f32 v55, v55  }
0x2cd: {  	v58 =	vadd.f32 v16, v46;
	v16 =	vmul.f32 v56, v56;
	v9 =	vsub.f32 $1.500000000e+00, v9  }
0x2ce: {  	v51 =	vld [tilespmem:s26+$0xFFFFFEC0];
	v15 =	vadd.f32 v54, v53;
	v17 =	vadd.f32 v17, v18  }
0x2cf: {  	v59 =	vadd.f32 v13, v12;
	v12 =	vld [tilespmem:s29+$0x40];
	v46 =	vmul.f32 v6, v9;
	v9 =	vadd.f32 v16, v19  }
0x2d0: {  	v60 =	vadd.f32 v20, v60;
	v18 =	vadd.f32 v56, v55;
	v16 =	vld [tilespmem:s29+$0x50]  }
0x2d1: {  	v10 =	vperm.xlane v8, v4;
	v63 =	vadd.f32 v14, v2;
	v9 =	vadd.f32 v9, v17;
	v17 =	vld [tilespmem:s26+$0x50]  }
0x2d2: {  	v13 =	vmul.f32 v58, v58;
	v6 =	vadd.f32 v18, v15;
	v15 =	vld [tilespmem:s26+$0x40];
	v18 =	vperm.xlane v3, v4  }
0x2d3: {  	v24 =	vld [tilespmem:s26+$0x60];
	v8 =	vadd.f32 v8, v10;
	v2 =	vmul.f32 v60, v60;
	v22 =	vmul.f32 v63, v63  }
0x2d4: {  	v62 =	vld [tilespmem:$0x1FF60];
	v1 =	vadd.f32 v59, v58;
	v5 =	vmul.f32 v46, v5;
	v3 =	vadd.f32 v3, v18  }
0x2d5: {  	v14 =	vld [tilespmem:s29+$0x60];
	v10 =	vmul.f32 v59, v59;
	v19 =	vperm.xlane v8, v23;
	v2 =	vadd.f32 v22, v2  }
0x2d6: {  	v18 =	vld [tilespmem:s26+$0x70];
	v5 =	vmul.f32 v5, v25;
	v22 =	vadd.f32 v17, v16;
	v17 =	vperm.xlane v3, v23  }
0x2d7: {  	v25 =	vmul.f32 v46, v7;
	v7 =	vld [tilespmem:s29+$0x80];
	v20 =	vadd.f32 v15, v12;
	v15 =	vadd.f32 v63, v60  }
0x2d8: {  	v13 =	vadd.f32 v10, v13;
	v4 =	vadd.f32 v3, v17;
	v3 =	vld [tilespmem:$0x1FFC0]  }
0x2d9: {  	v8 =	vadd.f32 v8, v19;
	v12 =	vld [tilespmem:s29+$0x70];
	v1 =	vadd.f32 v15, v1  }
0x2da: {  	v24 =	vadd.f32 v24, v14;
	v14 =	vld [tilespmem:s29+$0x90]  }
0x2db: {  	v0 =	vperm.xlane v8, v61;
	v2 =	vadd.f32 v2, v13;
	v15 =	vld [tilespmem:s26+$0x80];
	v1 =	vadd.f32 v1, v6  }
0x2dc: {  	v13 =	vld [tilespmem:s26+$0x90];
	v5 =	vadd.f32 v5, v62  }
0x2dd: {  	v2 =	vadd.f32 v2, v9;
	v9 =	vperm.xlane v1, v3;
	v3 =	vadd.f32 v8, v0;
	v0 =	vld [tilespmem:$0x1FFC0]  }
0x2de: {  	v16 =	vmul.f32 v20, v20;
	v62 =	vmul.f32 v22, v22;
	v17 =	vld [tilespmem:s26+$0xA0];
	v10 =	vadd.f32 v18, v12  }
0x2df: {  	v19 =	vadd.f32 v22, v20;
	v12 =	vld [tilespmem:s29+$0xA0];
	v18 =	vmul.f32 v24, v24  }
0x2e0: {  	v16 =	vadd.f32 v62, v16;
	v6 =	vadd.f32 v15, v7;
	v15 =	vld [tilespmem:s29+$0xB0];
	v7 =	vmul.f32 v10, v10  }
0x2e1: {  	v62 =	vadd.f32 v10, v24;
	v9 =	vadd.f32 v1, v9;
	v1 =	vld [tilespmem:s26+$0xB0]  }
0x2e2: {  	v7 =	vadd.f32 v7, v18;
	v8 =	vperm.xlane v2, v0;
	v0 =	vld [tilespmem:s29+$0xFFFFFEC0]  }
0x2e3: {  	v13 =	vadd.f32 v13, v14;
	v14 =	vadd.f32 v62, v19;
	v62 =	vperm.xlane v9, v23  }
0x2e4: {  	v57 =	vadd.f32 v39, v36;
	v7 =	vadd.f32 v7, v16  }
0x2e5: {  	v19 =	vmul.f32 v6, v6;
	v18 =	vadd.f32 v9, v62;
	v2 =	vadd.f32 v2, v8  }
0x2e6: {  	v8 =	vadd.f32 v17, v12;
	v17 =	vmul.f32 v13, v13;
	v9 =	vadd.f32 v1, v15  }
0x2e7: {  	[tilespmem:s29+$0x130] =	vst v5;
	v12 =	vadd.f32 v13, v6;
	v62 =	vperm.xlane v2, v23;
	v5 =	vadd.f32 v51, v0  }
0x2e8: {  	v16 =	vperm.xlane v18, v61;
	v1 =	vadd.f32 v17, v19;
	v19 =	vadd.f32 v9, v8  }
0x2e9: {  	v17 =	vperm.xlane v4, v61;
	v2 =	vadd.f32 v2, v62;
	v62 =	vadd.f32 v35, v5  }
0x2ea: {  	v15 =	vmul.f32 v8, v8;
	v51 =	vmul.f32 v9, v9;
	v12 =	vadd.f32 v19, v12  }
0x2eb: {  	v4 =	vadd.f32 v4, v17;
	v19 =	vadd.f32 v57, v62;
	v57 =	vld [tilespmem:$0x1FCE0]  }
0x2ec: {  	v16 =	vadd.f32 v18, v16;
	v15 =	vadd.f32 v51, v15;
	v51 =	vperm.xlane v3, v21;
	v62 =	vld [tilespmem:$0x1FFC0]  }
0x2ed: {  	v18 =	vperm.xlane v2, v61;
	v12 =	vadd.f32 v12, v14;
	v17 =	vperm.xlane v4, v21  }
0x2ee: {  	v0 =	vmul.f32 v5, v5;
	v1 =	vadd.f32 v15, v1;
	v3 =	vadd.f32 v51, v3  }
0x2ef: {  	v2 =	vadd.f32 v2, v18;
	v4 =	vadd.f32 v17, v4  }
0x2f0: {  	v14 =	vadd.f32 v26, v19;
	v0 =	vadd.f32 v57, v0  }
0x2f1: {  	v1 =	vadd.f32 v1, v7;
	v3 =	vmul.f32 $7.812500000e-03, v3;
	v7 =	vperm.xlane v12, v62  }
0x2f2: {  	v18 =	vperm.xlane v2, v21;
	v4 =	vmul.f32 $7.812500000e-03, v4;
	v0 =	vadd.f32 v27, v0  }
0x2f3: {  	v17 =	vmul.f32 v3, v3;
	v7 =	vadd.f32 v12, v7;
	v12 =	vperm.xlane v1, v62  }
0x2f4: {  	v57 =	vperm.xlane v16, v21;
	v15 =	vperm.xlane v14, v62;
	v0 =	vadd.f32 v29, v0  }
0x2f5: {  	v2 =	vadd.f32 v18, v2;
	v1 =	vadd.f32 v1, v12;
	v12 =	vperm.xlane v7, v23  }
0x2f6: {  	v4 =	vsub.f32 v4, v17;
	v14 =	vadd.f32 v14, v15;
	v15 =	vperm.xlane v0, v62  }
0x2f7: {  	v16 =	vadd.f32 v57, v16;
	v7 =	vadd.f32 v7, v12;
	v12 =	vperm.xlane v1, v23  }
0x2f8: {  	v2 =	vmul.f32 $7.812500000e-03, v2;
	v0 =	vadd.f32 v0, v15;
	v15 =	vperm.xlane v14, v23  }
0x2f9: {  	v16 =	vmul.f32 $7.812500000e-03, v16;
	v1 =	vadd.f32 v1, v12;
	v12 =	vperm.xlane v7, v61  }
0x2fa: {  	v57 =	vsub.f32 v32, v43;
	v14 =	vadd.f32 v14, v15;
	v15 =	vperm.xlane v0, v23  }
0x2fb: {  	v18 =	vmul.f32 v16, v16;
	v7 =	vadd.f32 v7, v12;
	v12 =	vperm.xlane v1, v61  }
0x2fc: {  	v4 =	vadd.f32 $9.999999740e-06, v4;
	v0 =	vadd.f32 v0, v15;
	v15 =	vperm.xlane v14, v61  }
0x2fd: {  	v2 =	vsub.f32 v2, v18;
	v1 =	vadd.f32 v1, v12;
	v12 =	vperm.xlane v7, v21  }
0x2fe: {  	v51 =	vsub.f32 v58, v16;
	v14 =	vadd.f32 v14, v15;
	v15 =	vperm.xlane v0, v61  }
0x2ff: {  	v2 =	vadd.f32 $9.999999740e-06, v2;
	v7 =	vadd.f32 v12, v7  }
0x300: {  	v12 =	vperm.xlane v1, v21;
	v0 =	vadd.f32 v0, v15;
	v15 =	vperm.xlane v14, v21  }
0x301: {  	v58 =	vsub.f32 v33, v43;
	v18 =	vshrl.u32 v2, $0x1;
	v7 =	vmul.f32 $7.812500000e-03, v7  }
0x302: {  	v1 =	vadd.f32 v12, v1;
	v14 =	vadd.f32 v15, v14;
	v15 =	vperm.xlane v0, v21  }
0x303: {  	v2 =	vmul.f32 $5.000000000e-01, v2;
	v20 =	vsub.f32 v20, v7;
	v22 =	vsub.f32 v22, v7  }
0x304: {  	v1 =	vmul.f32 $7.812500000e-03, v1;
	v6 =	vsub.f32 v6, v7;
	v0 =	vadd.f32 v15, v0  }
0x305: {  	v12 =	vmul.f32 $7.812500000e-03, v14;
	v14 =	vshrl.u32 v4, $0x1;
	v15 =	vmul.f32 v7, v7  }
0x306: {  	v13 =	vsub.f32 v13, v7;
	v4 =	vmul.f32 $5.000000000e-01, v4;
	v14 =	vsub.s32 $0x5F375A86, v14  }
0x307: {  	v0 =	vmul.f32 $7.812500000e-03, v0;
	v17 =	vmul.f32 v12, v12;
	v1 =	vsub.f32 v1, v15  }
0x308: {  	v15 =	vsub.s32 $0x5F375A86, v18;
	v5 =	vsub.f32 v5, v12;
	v21 =	vsub.f32 v35, v12  }
0x309: {  	v4 =	vmul.f32 v14, v4;
	v23 =	vsub.f32 v36, v12;
	v0 =	vsub.f32 v0, v17  }
0x30a: {  	v26 =	vsub.f32 v39, v12;
	v2 =	vmul.f32 v15, v2;
	v1 =	vadd.f32 $9.999999740e-06, v1  }
0x30b: {  	v29 =	vsub.f32 v40, v12;
	v0 =	vadd.f32 $9.999999740e-06, v0  }
0x30c: {  	v4 =	vmul.f32 v14, v4;
	v2 =	vmul.f32 v15, v2;
	v18 =	vshrl.u32 v1, $0x1  }
0x30d: {  	v1 =	vmul.f32 $5.000000000e-01, v1;
	v19 =	vshrl.u32 v0, $0x1;
	v0 =	vmul.f32 $5.000000000e-01, v0  }
0x30e: {  	v4 =	vsub.f32 $1.500000000e+00, v4;
	v18 =	vsub.s32 $0x5F375A86, v18;
	v19 =	vsub.s32 $0x5F375A86, v19  }
0x30f: {  	v40 =	vsub.f32 v45, v3;
	v17 =	vld [tilespmem:$0x1FEC0];
	v1 =	vmul.f32 v18, v1;
	v0 =	vmul.f32 v19, v0  }
0x310: {  	v2 =	vsub.f32 $1.500000000e+00, v2;
	v4 =	vmul.f32 v14, v4;
	v14 =	vsub.f32 v38, v12  }
0x311: {  	v38 =	vsub.f32 v50, v3;
	v1 =	vmul.f32 v18, v1;
	v0 =	vmul.f32 v19, v0  }
0x312: {  	v2 =	vmul.f32 v15, v2;
	v15 =	vsub.f32 v37, v12;
	v12 =	vsub.f32 v41, v12  }
0x313: {  	v1 =	vsub.f32 $1.500000000e+00, v1;
	v0 =	vsub.f32 $1.500000000e+00, v0  }
0x314: {  	v17 =	vmul.f32 v25, v17;
	v41 =	vsub.f32 v47, v3;
	v37 =	vsub.f32 v49, v3  }
0x315: {  	v1 =	vmul.f32 v18, v1;
	v18 =	vsub.f32 v42, v3;
	v0 =	vmul.f32 v19, v0  }
0x316: {  	v50 =	vsub.f32 v56, v16;
	v41 =	vmul.f32 v4, v41;
	v39 =	vmul.f32 v4, v37  }
0x317: {  	v19 =	vsub.f32 v44, v3;
	v18 =	vmul.f32 v4, v18;
	v45 =	vmul.f32 v0, v5  }
0x318: {  	v5 =	vsub.f32 v48, v3;
	v21 =	vmul.f32 v0, v21;
	v47 =	vmul.f32 v0, v23  }
0x319: {  	v62 =	vld [tilespmem:$0x1FF20];
	v3 =	vsub.f32 v52, v3;
	v49 =	vmul.f32 v0, v26;
	v14 =	vmul.f32 v0, v14  }
0x31a: {  	v61 =	vld [tilespmem:$0x1FF30];
	v48 =	vsub.f32 v54, v16;
	v15 =	vmul.f32 v0, v15;
	v54 =	vmul.f32 v0, v29  }
0x31b: {  	v25 =	vld [tilespmem:$0x1FF70];
	v0 =	vmul.f32 v0, v12;
	v12 =	vsub.f32 v24, v7;
	v44 =	vmul.f32 v4, v19  }
0x31c: {  	v24 =	vsub.f32 v10, v7;
	v10 =	vmul.f32 v4, v40;
	v37 =	vmul.f32 v4, v3;
	v3 =	vld [tilespmem:$0x1FCF0]  }
0x31d: {  	v23 =	vsub.f32 v53, v16;
	v40 =	vmul.f32 v4, v38;
	v42 =	vmul.f32 v4, v5;
	v4 =	vld [tilespmem:$0x1FD00]  }
0x31e: {  	v11 =	vmul.f32 v46, v11;
	v32 =	vld [tilespmem:$0x1FD30];
	v26 =	vsub.f32 v55, v16;
	v53 =	vsub.f32 v60, v16  }
0x31f: {  	v33 =	vmul.f32 v2, v50;
	v52 =	vsub.f32 v59, v16;
	v16 =	vsub.f32 v63, v16;
	v63 =	vld [tilespmem:$0x1FEC0]  }
0x320: {  	v56 =	vsub.f32 v31, v43;
	v11 =	vmul.f32 v11, v25;
	v31 =	vmul.f32 v2, v53;
	v53 =	vld [tilespmem:$0x1FF60]  }
0x321: {  	v27 =	vmul.f32 v1, v6;
	v55 =	vsub.f32 v30, v43;
	v60 =	vld [tilespmem:$0x1FF40];
	v3 =	vadd.f32 v3, v62  }
0x322: {  	v43 =	vsub.f32 v34, v43;
	v34 =	vmul.f32 v2, v51;
	v59 =	vld [tilespmem:$0x1FF50];
	v4 =	vadd.f32 v4, v61  }
0x323: {  	v19 =	vsub.f32 v8, v7;
	v29 =	vmul.f32 v1, v22;
	v38 =	vmul.f32 v2, v23;
	[tilespmem:s25+$0x70] =	vst v3;
	v3 =	vld [tilespmem:$0x1FD10]  }
0x324: {  	v7 =	vsub.f32 v9, v7;
	v35 =	vmul.f32 v2, v48;
	v36 =	vmul.f32 v2, v26;
	[tilespmem:s25+$0x80] =	vst v4;
	v4 =	vld [tilespmem:$0x1FD20]  }
0x325: {  	v51 =	vld [tilespmem:$0x1FF00];
	v9 =	vmul.f32 v2, v52;
	v26 =	vmul.f32 v2, v16;
	v2 =	vadd.f32 v32, v53  }
0x326: {  	v52 =	vld [tilespmem:$0x1FF10];
	v30 =	vmul.f32 v1, v12;
	v8 =	vmul.f32 v1, v24  }
0x327: {  	v24 =	vmul.f32 v1, v13;
	v25 =	vmul.f32 v1, v19;
	[tilespmem:s25+$0xB0] =	vst v2;
	v2 =	vld [tilespmem:$0x1FD40]  }
0x328: {  	v5 =	vmul.f32 v1, v7;
	v32 =	vmul.f32 v1, v20;
	v1 =	vld [tilespmem:$0x1FD50];
	v3 =	vadd.f32 v3, v60  }
0x329: {  	v20 =	vmul.f32 v46, v56;
	v56 =	vld [tilespmem:$0x1FD60];
	v4 =	vadd.f32 v4, v59  }
0x32a: {  	[tilespmem:s25+$0x90] =	vst v3;
	v3 =	vadd.f32 v17, v28  }
0x32b: {  	v6 =	vmul.f32 v46, v58;
	v58 =	vld [tilespmem:$0x1FD70];
	[tilespmem:s25+$0xA0] =	vst v4;
	v4 =	vadd.f32 v11, v51  }
0x32c: {  	v50 =	vld [tilespmem:$0x1FEF0];
	v2 =	vadd.f32 v2, v52;
	[tilespmem:s29+$0xC0] =	vst v3;
	v3 =	vmul.f32 v45, v63  }
0x32d: {  	v48 =	vld [tilespmem:$0x1FED0];
	v1 =	vadd.f32 v1, v62;
	[tilespmem:s29+$0xD0] =	vst v4  }
0x32e: {  	[tilespmem:s25+$0xE0] =	vst v2;
	v2 =	vadd.f32 v56, v61;
	v61 =	vadd.f32 v3, v28;
	v3 =	vld [tilespmem:$0x1FEE0]  }
0x32f: {  	v19 =	vld [tilespmem:$0x1FF70]  }
0x330: {  	[tilespmem:s25+$0xF0] =	vst v1;
	v1 =	vadd.f32 v58, v60;
	v60 =	vld [tilespmem:$0x1FD80]  }
0x331: {  	v62 =	vld [tilespmem:$0x1FFB0]  }
0x332: {  	s28 =	sadd.s32 $0x5, s28;
	v17 =	vld [tilespmem:$0x1FF90]  }
0x333: {  	p0 =	slt.u32 s28, $0xC3;
	v45 =	vmul.f32 v49, v3;
	v3 =	vld [tilespmem:$0x1FF80]  }
.Ltmp3:
0x334: {  	v22 =	vmul.f32 v46, v57;
	v11 =	vmul.f32 v47, v48;
	(pc) =	sbr.rel @p0 .LBB2_5-.Ltmp3, $4  }
0x335: {  	v23 =	vmul.f32 v46, v55;
	v4 =	vmul.f32 v21, v19;
	[tilespmem:s25+$0x100] =	vst v2;
	v2 =	vadd.f32 v60, v59  }
0x336: {  	v7 =	vmul.f32 v46, v43;
	v21 =	vmul.f32 v54, v50;
	v47 =	vadd.f32 v11, v52;
	[tilespmem:s25+$0x110] =	vst v1  }
0x337: {  	v11 =	vmul.f32 v0, v62;
	v46 =	vadd.f32 v4, v51;
	v4 =	vmul.f32 v18, v63;
	v49 =	vld [tilespmem:$0x1FEE0];
	[tilespmem:s25+$0x120] =	vst v2;
	s25 =	smov.u32 s29  }
0x338: {  	v43 =	vmul.f32 v15, v17;
	s29 =	sadd.s32 $0x280, s29;
	[tilespmem:s25+$0xFFFFFEC0] =	vst v61;
	v28 =	vmul.f32 v14, v3;
	v14 =	vld [tilespmem:$0x1FF80]  }
0x339: {  	v13 =	vld [tilespmem:$0x1FFF0]  }
0x33a: {  	v12 =	vld [tilespmem:$0x1FFD0]  }
0x33b: {  	v61 =	vld [tilespmem:$0x1FFE0];
	[tilespmem:s25+$0xFFFFFED0] =	vst v46  }
0x33c: {  	v46 =	vld [tilespmem:$0x1FF20];
	[tilespmem:s25+$0xFFFFFEE0] =	vst v47  }
0x33d: {  	v18 =	vld [tilespmem:$0x1FF30];
	_ =	sdelay $0x3  }
0x33e: {  	v0 =	vadd.f32 v45, v46  }
0x33f: {  	v1 =	vadd.f32 v28, v18  }
0x340: {  	[tilespmem:s25+$0xFFFFFEF0] =	vst v0  }
0x341: {  	v16 =	vld [tilespmem:$0x1FF40];
	[tilespmem:s25+$0xFFFFFF00] =	vst v1  }
0x342: {  	v15 =	vld [tilespmem:$0x1FF50];
	_ =	sdelay $0x3  }
0x343: {  	v55 =	vadd.f32 v43, v16  }
0x344: {  	v56 =	vadd.f32 v21, v15  }
0x345: {  	[tilespmem:s25+$0xFFFFFF10] =	vst v55  }
0x346: {  	[tilespmem:s25+$0xFFFFFF20] =	vst v56  }
0x347: {  	v3 =	vmul.f32 v10, v48;
	v10 =	vld [tilespmem:$0x1FFA0]  }
0x348: {  	v2 =	vmul.f32 v44, v19  }
0x349: {  	v57 =	vadd.f32 v11, v53  }
0x34a: {  	v60 =	vadd.f32 v2, v51  }
0x34b: {  	v59 =	vmul.f32 v41, v49;
	v21 =	vadd.f32 v3, v52;
	[tilespmem:s25+$0xFFFFFF30] =	vst v57  }
0x34c: {  	v62 =	vmul.f32 v42, v14;
	[tilespmem:s25+$0xFFFFFF50] =	vst v60;
	v58 =	vadd.f32 v4, v10  }
0x34d: {  	v28 =	vmul.f32 v39, v17;
	v39 =	vadd.f32 v59, v46;
	[tilespmem:s25+$0xFFFFFF60] =	vst v21  }
0x34e: {  	v41 =	vmul.f32 v40, v50;
	v42 =	vadd.f32 v62, v18;
	[tilespmem:s25+$0xFFFFFF40] =	vst v58  }
0x34f: {  	v45 =	vmul.f32 v38, v63;
	v44 =	vadd.f32 v28, v16;
	v11 =	vld [tilespmem:$0x1FFB0];
	[tilespmem:s25+$0xFFFFFF70] =	vst v39  }
0x350: {  	v54 =	vmul.f32 v35, v19;
	v47 =	vadd.f32 v41, v15;
	[tilespmem:s25+$0xFFFFFF80] =	vst v42  }
0x351: {  	v56 =	vmul.f32 v36, v48;
	v57 =	vadd.f32 v45, v10;
	[tilespmem:s25+$0xFFFFFF90] =	vst v44  }
0x352: {  	v59 =	vadd.f32 v54, v51;
	v60 =	vmul.f32 v34, v14;
	[tilespmem:s25+$0xFFFFFFA0] =	vst v47  }
0x353: {  	v62 =	vmul.f32 v9, v17;
	v2 =	vadd.f32 v56, v52;
	[tilespmem:s25+$0xFFFFFFC0] =	vst v57  }
0x354: {  	v21 =	vmul.f32 v31, v50;
	v4 =	vadd.f32 v60, v18;
	[tilespmem:s25+$0xFFFFFFD0] =	vst v59  }
0x355: {  	v1 =	vadd.f32 v62, v16;
	v31 =	vmul.f32 v32, v63;
	[tilespmem:s25+$0xFFFFFFE0] =	vst v2  }
0x356: {  	v36 =	vmul.f32 v8, v49;
	v0 =	vadd.f32 v21, v15;
	[tilespmem:s25+$0x0] =	vst v4  }
0x357: {  	v40 =	vmul.f32 v24, v17;
	v35 =	vadd.f32 v31, v10;
	[tilespmem:s25+$0x10] =	vst v1  }
0x358: {  	v34 =	vmul.f32 v30, v48;
	v41 =	vadd.f32 v36, v46;
	[tilespmem:s25+$0x20] =	vst v0  }
0x359: {  	v45 =	vadd.f32 v40, v16;
	v58 =	vmul.f32 v33, v49;
	[tilespmem:s25+$0x40] =	vst v35  }
0x35a: {  	v39 =	vadd.f32 v34, v52;
	v42 =	vmul.f32 v25, v50;
	[tilespmem:s25+$0x70] =	vst v41  }
0x35b: {  	v47 =	vmul.f32 v23, v48;
	[tilespmem:s25+$0x90] =	vst v45;
	v3 =	vadd.f32 v58, v46  }
0x35c: {  	v57 =	vmul.f32 v6, v17;
	[tilespmem:s25+$0x60] =	vst v39;
	v48 =	vadd.f32 v42, v15  }
0x35d: {  	v59 =	vmul.f32 v7, v50;
	v56 =	vadd.f32 v47, v52;
	[tilespmem:s25+$0xFFFFFFF0] =	vst v3  }
0x35e: {  	v32 =	vmul.f32 v29, v19;
	v62 =	vadd.f32 v57, v16;
	[tilespmem:s25+$0xA0] =	vst v48  }
0x35f: {  	v63 =	vadd.f32 v59, v15;
	[tilespmem:s25+$0xE0] =	vst v56;
	v43 =	vmul.f32 v37, v11  }
0x360: {  	[tilespmem:s25+$0x110] =	vst v62;
	v28 =	vmul.f32 v26, v11;
	v37 =	vadd.f32 v32, v51  }
0x361: {  	v38 =	vmul.f32 v27, v14;
	[tilespmem:s25+$0x120] =	vst v63;
	v55 =	vadd.f32 v43, v53  }
0x362: {  	v44 =	vmul.f32 v5, v11;
	v33 =	vadd.f32 v28, v53;
	[tilespmem:s25+$0x50] =	vst v37  }
0x363: {  	v51 =	vmul.f32 v20, v49;
	v43 =	vadd.f32 v38, v18;
	[tilespmem:s25+$0xFFFFFFB0] =	vst v55  }
0x364: {  	s24 =	sadd.s32 s24, s6;
	v54 =	vadd.f32 v44, v53;
	[tilespmem:s25+$0x30] =	vst v33;
	v55 =	vmul.f32 v22, v14  }
0x365: {  	s24 =	smul.u32 $0xC80, s24;
	v58 =	vadd.f32 v51, v46;
	[tilespmem:s25+$0x80] =	vst v43  }
0x366: {  	[tilespmem:s25+$0xB0] =	vst v54;
	v60 =	vadd.f32 v55, v18  }
0x367: {  	p0 =	seq.s32 s23, $0x3F;
	s24 =	sadd.s32 s5, s24;
	[tilespmem:s25+$0xF0] =	vst v58  }
.Ltmp4:
0x368: {  	s24 =	sadd.s32 $0xC80, s24;
	[tilespmem:s25+$0x100] =	vst v60;
	(pc) =	sbr.rel @p0 .LBB2_8-.Ltmp4, $4  }
0x369: {  	[hbm4b:s24+s7] =	stream.linear.scatter [tilespmem:s17], [sflag:$0x4], $0x6400, $0x38;
	[tilespmem:$0x19100] =	vst v63  }
0x36a: {  	_ =	swait.ge [sflag:s20], $0x6400  }
0x36b: {  	[sflag:s20] =	ssyncset.done $0x0  }
0x36c: {  	[sflag:s20] =	ssyncadd.s32 $0xFFFF9C00  }
0x36d: {  	s24 =	smul.u32 $0x640, s23;
	_ =	sdelay $0x1  }
0x36e: {  	s24 =	sshra.s32 s24, $0x2  }
0x36f: {  	s25 =	sadd.s32 $0x190, s24  }
0x370: {  	[tilespmem:s16], [sflag:$0x1] =	stream.indirect.gather [hbm4b:s0+s15], $0x80, s25, s15, $0xb8;
	[tilespmem:$0x19100] =	vst v63  }
.Ltmp5:
0x371: {  	_ = 	snop;
	(pc) =	sbr.rel .LBB2_2-.Ltmp5, $4  }
0x372: {  	_ =	swait.ge [sflag:s21], $0x6400  }
0x373: {  	[sflag:s21] =	ssyncset.done $0x0  }
0x374: {  	s23 =	sadd.s32 $0x1, s23;
	s24 =	sadd.s32 $0x258, s24;
	[sflag:s21] =	ssyncadd.s32 $0xFFFF9C00  }
0x375: {  	v18 =	vmovc v11;
	v15 =	vmovc v10;
	v1 =	vmov v61;
	v3 =	vmov v12;
	v12 =	vmov v13;
	[tilespmem:s17], [sflag:$0x2] =	stream.indirect.gather [hbm4b:s0+s15], $0x80, s24, s15, $0xb8;
	[tilespmem:$0x19100] =	vst v63  }
.LBB2_9:
0x376: {  	_ =	sfence.sel $0x180000  }
0x377: {  	[bflag:$0x0] =	sbarrier.arrive $0xFFFF  }
0x378: {  	p0 =	sne.s32 s2, $0x0;
	_ =	strace $0x90000047  }
0x379: {  	s0 =	sadd.s32 @!p0 $0x100000, s4;
	[bflag:$0x2] =	sbarrier.arrive $0xFFFF  }
0x37a: {  	[sflag:s0] =	ssyncadd.tile.s32 @!p0 $0x1;
	_ =	shalt  }
.Lfunc_end2:
_tile_overlayer_lowered:
.L_overlay_start_2:
0x37b: {  	(tag) =	ssettag $0x2  }
0x37c: {  	s0 =	rddreg [dreg:$0x0];
	s2 =	stileid.u32  }
0x37d: {  	s1 =	rddreg [dreg:$0x1];
	p0 =	sne.s32 s2, $0x0  }
0x37e: {  	s3 =	rddreg [dreg:$0x2];
	[bflag:$0x3] =	sbarrier.arrive $0xFFFF;
	s2 =	simm.s32 @!p0 $0x1C05  }
0x37f: {  	[timem:s3], [sflag:s2] =	dma.local @!p0 [hbm:s0], s1  }
0x380: {  	s0 =	simm.s32 @!p0 $0x5  }
0x381: {  	_ =	swait.ge @!p0 [sflag:s0], s1  }
0x382: {  	s1 =	ssub.s32 @!p0 $0x0, s1;
	[sflag:s0] =	ssyncset.done @!p0 $0x0  }
0x383: {  	[sflag:s0] =	ssyncadd.s32 @!p0 s1  }
0x384: {  	[bflag:$0x3] =	sbarrier.arrive $0xFFFF  }
0x385: {  	_ =	shalt  }

</sc_bundles>
